<compile_context>
chip_gen: v7x
topology: tpu7x:2x2x1
jax: 0.10.2.dev20260603
libtpu: 0.0.44.dev20260713+nightly
codegen_flags: <defaults>
</compile_context>

<pallas_src>
import functools

import jax
import jax.numpy as jnp
from jax import lax
from jax.experimental import pallas as pl
from jax.experimental.pallas import tpu as pltpu
from jax.experimental.pallas import tpu_sc as plsc

NC = 2
NS = 16
NW = NC * NS

CR = 8
NB = 2


def _gather_kernel(rows_w, n_chunks, S, D, data_hbm, table_hbm, out_hbm,
                   idx_v, rows_a, rows_b, gsem_a, gsem_b, ssem_a, ssem_b):
    bufs = (rows_a, rows_b)
    gs = (gsem_a, gsem_b)
    ss = (ssem_a, ssem_b)
    wid = lax.axis_index("s") * NC + lax.axis_index("c")
    base = wid * rows_w

    pltpu.sync_copy(data_hbm.at[pl.ds(base, rows_w)], idx_v)

    def outer(o, carry):
        g0 = o * NB
        for b in range(NB):
            off = (g0 + b) * CR
            for r in range(CR):
                pltpu.async_copy(table_hbm.at[idx_v.at[off + r]],
                                 bufs[b].at[r], gs[b])
        for b in range(NB):
            off = (g0 + b) * CR
            for r in range(CR):
                pltpu.make_async_copy(table_hbm.at[idx_v.at[off + r]],
                                      bufs[b].at[r], gs[b]).wait()
            for r in range(CR):
                pltpu.async_copy(bufs[b].at[r],
                                 out_hbm.at[base + off + r], ss[b])
        for b in range(NB):
            off = (g0 + b) * CR
            for r in range(CR):
                pltpu.make_async_copy(bufs[b].at[r],
                                      out_hbm.at[base + off + r],
                                      ss[b]).wait()
        return carry

    lax.fori_loop(0, n_chunks // NB, outer, 0)


VB = 16384


def _fmt_kernel(vb, tT_ref, o_ref, xt_ref):
    x = tT_ref[...]
    eye = (lax.broadcasted_iota(jnp.int32, (64, 64), 0)
           == lax.broadcasted_iota(jnp.int32, (64, 64), 1)).astype(jnp.float32)
    xt_ref[...] = lax.dot_general(x, eye, (((0,), (0,)), ((), ())),
                                  preferred_element_type=jnp.float32)
    o_ref[:, 0:64] = xt_ref[0::2, :]
    o_ref[:, 64:128] = xt_ref[1::2, :]


def _format_table(table):
    V, D = table.shape
    nvb = (V + VB - 1) // VB
    t2 = pl.pallas_call(
        functools.partial(_fmt_kernel, VB),
        grid=(nvb,),
        in_specs=[pl.BlockSpec((D, VB), lambda i: (0, i))],
        out_specs=pl.BlockSpec((VB // 2, 128), lambda i: (i, 0)),
        out_shape=jax.ShapeDtypeStruct((V // 2, 128), jnp.float32),
        scratch_shapes=[pltpu.VMEM((VB, 64), jnp.float32)],
    )(table.T)
    return jnp.reshape(t2, (V, D))


def kernel(data, table):
    B0, S = data.shape
    V, D = table.shape

    rows_w = B0 // NW
    n_chunks = rows_w // CR
    assert rows_w * NW == B0 and n_chunks * CR == rows_w
    assert n_chunks % NB == 0

    table_lin = _format_table(table)

    mesh = plsc.VectorSubcoreMesh(core_axis_name="c", subcore_axis_name="s")
    run = functools.partial(
        pl.kernel,
        out_type=jax.ShapeDtypeStruct((B0, S, D), jnp.float32),
        mesh=mesh,
        scratch_types=[
            pltpu.VMEM((rows_w, S), jnp.int32),
            pltpu.VMEM((CR, S, D), jnp.float32),
            pltpu.VMEM((CR, S, D), jnp.float32),
            pltpu.SemaphoreType.DMA,
            pltpu.SemaphoreType.DMA,
            pltpu.SemaphoreType.DMA,
            pltpu.SemaphoreType.DMA,
        ],
        compiler_params=pltpu.CompilerParams(use_tc_tiling_on_sc=False),
    )(functools.partial(_gather_kernel, rows_w, n_chunks, S, D))
    return run(data, table_lin)

# --- scband reference (transcript-rebuilt; emitter-appended) ---
"""Pipeline reference for scband-enc-no-context-net-51668456571396 (READ-ONLY COPY).

The authoritative reference and input builder live on the scoring server;
editing this copy changes nothing except your own understanding.
"""

import jax, jax.numpy as jnp
import numpy as np

MP = 10000
PD = 100
VD = 64
VOCAB = MP * PD

def setup_inputs(seed: int = 0) -> dict:
    key = jax.random.key(seed)
    k1, k2 = jax.random.split(key)
    data = jax.random.randint(k1, (16384, 26), 0, VOCAB, dtype=jnp.int64) if jax.config.jax_enable_x64 else jax.random.randint(k1, (16384, 26), 0, VOCAB, dtype=jnp.int32)
    table = jax.random.normal(k2, (VOCAB, VD), dtype=jnp.float32) * 0.02
    return {"data": data, "table": table}

def reference(data, table):
    # nn.Embedding lookup: table[data] -> [16384, 26, 64]
    el = jnp.take(table, data, axis=0)
    return el

if __name__ == "__main__":
    import jax
    _d = setup_inputs()
    print(jax.jit(kernel)(*tuple(_d.values())))

</pallas_src>

<mosaic_0001>
#map = affine_map<(d0, d1) -> (0, 0)>
#map1 = affine_map<(d0, d1) -> (0, 0, 0)>
module attributes {stable_mosaic.version = 14 : i64} {
  func.func @_gather_kernel(%arg0: i32, %arg1: i32, %arg2: memref<16384x26xi32, #tpu.memory_space<hbm>>, %arg3: memref<1000000x64xf32, #tpu.memory_space<hbm>>, %arg4: memref<16384x26x64xf32, #tpu.memory_space<hbm>>, %arg5: memref<512x26xi32, #tpu.memory_space<vmem>>, %arg6: memref<8x26x64xf32, #tpu.memory_space<vmem>>, %arg7: memref<8x26x64xf32, #tpu.memory_space<vmem>>, %arg8: memref<!tpu.dma_semaphore, #tpu.memory_space<semaphore_mem>>, %arg9: memref<!tpu.dma_semaphore, #tpu.memory_space<semaphore_mem>>, %arg10: memref<!tpu.dma_semaphore, #tpu.memory_space<semaphore_mem>>, %arg11: memref<!tpu.dma_semaphore, #tpu.memory_space<semaphore_mem>>) attributes {dimension_semantics = [#tpu.dimension_semantics<core_parallel>, #tpu.dimension_semantics<subcore_parallel>], iteration_bounds = array<i64: 2, 16>, scalar_prefetch = 0 : i64, scratch_operands = 7 : i64, tpu.core_type = #tpu.core_type<sc_vector_subcore>, window_params = [{transform_indices = #map}, {transform_indices = #map}, {transform_indices = #map1}]} {
    %mul3A = arith.constant 2 : i32
    %mul3A_0 = arith.muli %arg1, %mul3A : i32
    %add3A = arith.addi %mul3A_0, %arg0 : i32
    %mul3A_1 = arith.constant 512 : i32
    %mul3A_2 = arith.muli %add3A, %mul3A_1 : i32
    "tpu.region"() ({
      %run_scoped3A = tpu.sem_alloc : memref<!tpu.dma_semaphore, #tpu.memory_space<semaphore_mem>>
      %dma_start3A = arith.constant 0 : i32
      %dma_start3A_8 = tpu.memref_slice %arg2[%mul3A_2, %dma_start3A] : memref<16384x26xi32, #tpu.memory_space<hbm>> -> memref<512x26xi32, #tpu.memory_space<hbm>>
      %dma_start3A_9 = arith.constant 0 : i32
      %dma_start3A_10 = tpu.memref_slice %arg2[%mul3A_2, %dma_start3A_9] : memref<16384x26xi32, #tpu.memory_space<hbm>> -> memref<512x26xi32, #tpu.memory_space<hbm>>
      tpu.enqueue_dma source(%dma_start3A_10 : memref<512x26xi32, #tpu.memory_space<hbm>>) target(%arg5 : memref<512x26xi32, #tpu.memory_space<vmem>>) target_semaphore(%run_scoped3A : memref<!tpu.dma_semaphore, #tpu.memory_space<semaphore_mem>>)
      %dma_wait3A = arith.constant 0 : i32
      %dma_wait3A_11 = tpu.memref_slice %arg2[%mul3A_2, %dma_wait3A] : memref<16384x26xi32, #tpu.memory_space<hbm>> -> memref<512x26xi32, #tpu.memory_space<hbm>>
      %dma_wait3A_12 = arith.constant 0 : i32
      %dma_wait3A_13 = tpu.memref_slice %arg2[%mul3A_2, %dma_wait3A_12] : memref<16384x26xi32, #tpu.memory_space<hbm>> -> memref<512x26xi32, #tpu.memory_space<hbm>>
      tpu.wait_dma2 semaphore(%run_scoped3A : memref<!tpu.dma_semaphore, #tpu.memory_space<semaphore_mem>>) src(%dma_wait3A_13 : memref<512x26xi32, #tpu.memory_space<hbm>>) dst(%arg5 : memref<512x26xi32, #tpu.memory_space<vmem>>)
      tpu.yield
    }) : () -> ()
    %scan3A = arith.constant 0 : i32
    %scan3A_3 = arith.constant 0 : i32
    %scan3A_4 = arith.constant 32 : i32
    %scan3A_5 = arith.addi %scan3A_3, %scan3A_4 : i32
    %scan3A_6 = arith.constant 1 : i32
    scf.for %scan3A_8 = %scan3A_3 to %scan3A_5 step %scan3A_6  : i32 {
      %mul3A_9 = arith.constant 2 : i32
      %mul3A_10 = arith.muli %scan3A_8, %mul3A_9 : i32
      %add3A_11 = arith.constant 0 : i32
      %add3A_12 = arith.addi %mul3A_10, %add3A_11 : i32
      %mul3A_13 = arith.constant 8 : i32
      %mul3A_14 = arith.muli %add3A_12, %mul3A_13 : i32
      %add3A_15 = arith.constant 0 : i32
      %add3A_16 = arith.addi %mul3A_14, %add3A_15 : i32
      %dma_start3A = arith.constant 0 : i32
      %dma_start3A_17 = arith.constant 0 : i32
      %dma_start3A_18 = arith.constant 0 : i32
      %dma_start3A_19 = tpu.memref_slice %arg6[%dma_start3A, %dma_start3A_17, %dma_start3A_18] : memref<8x26x64xf32, #tpu.memory_space<vmem>> -> memref<1x26x64xf32, #tpu.memory_space<vmem>>
      %dma_start3A_20 = tpu.memref_squeeze %dma_start3A_19 : memref<1x26x64xf32, #tpu.memory_space<vmem>> -> memref<26x64xf32, #tpu.memory_space<vmem>>
      %dma_start3A_21 = arith.constant 0 : i32
      %dma_start3A_22 = tpu.memref_slice %arg5[%add3A_16, %dma_start3A_21] : memref<512x26xi32, #tpu.memory_space<vmem>> -> memref<1x26xi32, #tpu.memory_space<vmem>>
      %dma_start3A_23 = tpu.memref_squeeze %dma_start3A_22 : memref<1x26xi32, #tpu.memory_space<vmem>> -> memref<26xi32, #tpu.memory_space<vmem>>
      %dma_start3A_24 = arith.constant 0 : i32
      %dma_start3A_25 = arith.constant 0 : i32
      %dma_start3A_26 = tpu.memref_slice %arg3[%dma_start3A_24, %dma_start3A_25] : memref<1000000x64xf32, #tpu.memory_space<hbm>> -> memref<1000000x64xf32, #tpu.memory_space<hbm>>
      tpu.enqueue_indirect_dma source(%dma_start3A_26 : memref<1000000x64xf32, #tpu.memory_space<hbm>>) target(%dma_start3A_20 : memref<26x64xf32, #tpu.memory_space<vmem>>) offsets(%dma_start3A_23 : memref<26xi32, #tpu.memory_space<vmem>>) semaphore(%arg8 : memref<!tpu.dma_semaphore, #tpu.memory_space<semaphore_mem>>)
      %add3A_27 = arith.constant 1 : i32
      %add3A_28 = arith.addi %mul3A_14, %add3A_27 : i32
      %dma_start3A_29 = arith.constant 1 : i32
      %dma_start3A_30 = arith.constant 0 : i32
      %dma_start3A_31 = arith.constant 0 : i32
      %dma_start3A_32 = tpu.memref_slice %arg6[%dma_start3A_29, %dma_start3A_30, %dma_start3A_31] : memref<8x26x64xf32, #tpu.memory_space<vmem>> -> memref<1x26x64xf32, #tpu.memory_space<vmem>>
      %dma_start3A_33 = tpu.memref_squeeze %dma_start3A_32 : memref<1x26x64xf32, #tpu.memory_space<vmem>> -> memref<26x64xf32, #tpu.memory_space<vmem>>
      %dma_start3A_34 = arith.constant 0 : i32
      %dma_start3A_35 = tpu.memref_slice %arg5[%add3A_28, %dma_start3A_34] : memref<512x26xi32, #tpu.memory_space<vmem>> -> memref<1x26xi32, #tpu.memory_space<vmem>>
      %dma_start3A_36 = tpu.memref_squeeze %dma_start3A_35 : memref<1x26xi32, #tpu.memory_space<vmem>> -> memref<26xi32, #tpu.memory_space<vmem>>
      %dma_start3A_37 = arith.constant 0 : i32
      %dma_start3A_38 = arith.constant 0 : i32
      %dma_start3A_39 = tpu.memref_slice %arg3[%dma_start3A_37, %dma_start3A_38] : memref<1000000x64xf32, #tpu.memory_space<hbm>> -> memref<1000000x64xf32, #tpu.memory_space<hbm>>
      tpu.enqueue_indirect_dma source(%dma_start3A_39 : memref<1000000x64xf32, #tpu.memory_space<hbm>>) target(%dma_start3A_33 : memref<26x64xf32, #tpu.memory_space<vmem>>) offsets(%dma_start3A_36 : memref<26xi32, #tpu.memory_space<vmem>>) semaphore(%arg8 : memref<!tpu.dma_semaphore, #tpu.memory_space<semaphore_mem>>)
      %add3A_40 = arith.constant 2 : i32
      %add3A_41 = arith.addi %mul3A_14, %add3A_40 : i32
      %dma_start3A_42 = arith.constant 2 : i32
      %dma_start3A_43 = arith.constant 0 : i32
      %dma_start3A_44 = arith.constant 0 : i32
      %dma_start3A_45 = tpu.memref_slice %arg6[%dma_start3A_42, %dma_start3A_43, %dma_start3A_44] : memref<8x26x64xf32, #tpu.memory_space<vmem>> -> memref<1x26x64xf32, #tpu.memory_space<vmem>>
      %dma_start3A_46 = tpu.memref_squeeze %dma_start3A_45 : memref<1x26x64xf32, #tpu.memory_space<vmem>> -> memref<26x64xf32, #tpu.memory_space<vmem>>
      %dma_start3A_47 = arith.constant 0 : i32
      %dma_start3A_48 = tpu.memref_slice %arg5[%add3A_41, %dma_start3A_47] : memref<512x26xi32, #tpu.memory_space<vmem>> -> memref<1x26xi32, #tpu.memory_space<vmem>>
      %dma_start3A_49 = tpu.memref_squeeze %dma_start3A_48 : memref<1x26xi32, #tpu.memory_space<vmem>> -> memref<26xi32, #tpu.memory_space<vmem>>
      %dma_start3A_50 = arith.constant 0 : i32
      %dma_start3A_51 = arith.constant 0 : i32
      %dma_start3A_52 = tpu.memref_slice %arg3[%dma_start3A_50, %dma_start3A_51] : memref<1000000x64xf32, #tpu.memory_space<hbm>> -> memref<1000000x64xf32, #tpu.memory_space<hbm>>
      tpu.enqueue_indirect_dma source(%dma_start3A_52 : memref<1000000x64xf32, #tpu.memory_space<hbm>>) target(%dma_start3A_46 : memref<26x64xf32, #tpu.memory_space<vmem>>) offsets(%dma_start3A_49 : memref<26xi32, #tpu.memory_space<vmem>>) semaphore(%arg8 : memref<!tpu.dma_semaphore, #tpu.memory_space<semaphore_mem>>)
      %add3A_53 = arith.constant 3 : i32
      %add3A_54 = arith.addi %mul3A_14, %add3A_53 : i32
      %dma_start3A_55 = arith.constant 3 : i32
      %dma_start3A_56 = arith.constant 0 : i32
      %dma_start3A_57 = arith.constant 0 : i32
      %dma_start3A_58 = tpu.memref_slice %arg6[%dma_start3A_55, %dma_start3A_56, %dma_start3A_57] : memref<8x26x64xf32, #tpu.memory_space<vmem>> -> memref<1x26x64xf32, #tpu.memory_space<vmem>>
      %dma_start3A_59 = tpu.memref_squeeze %dma_start3A_58 : memref<1x26x64xf32, #tpu.memory_space<vmem>> -> memref<26x64xf32, #tpu.memory_space<vmem>>
      %dma_start3A_60 = arith.constant 0 : i32
      %dma_start3A_61 = tpu.memref_slice %arg5[%add3A_54, %dma_start3A_60] : memref<512x26xi32, #tpu.memory_space<vmem>> -> memref<1x26xi32, #tpu.memory_space<vmem>>
      %dma_start3A_62 = tpu.memref_squeeze %dma_start3A_61 : memref<1x26xi32, #tpu.memory_space<vmem>> -> memref<26xi32, #tpu.memory_space<vmem>>
      %dma_start3A_63 = arith.constant 0 : i32
      %dma_start3A_64 = arith.constant 0 : i32
      %dma_start3A_65 = tpu.memref_slice %arg3[%dma_start3A_63, %dma_start3A_64] : memref<1000000x64xf32, #tpu.memory_space<hbm>> -> memref<1000000x64xf32, #tpu.memory_space<hbm>>
      tpu.enqueue_indirect_dma source(%dma_start3A_65 : memref<1000000x64xf32, #tpu.memory_space<hbm>>) target(%dma_start3A_59 : memref<26x64xf32, #tpu.memory_space<vmem>>) offsets(%dma_start3A_62 : memref<26xi32, #tpu.memory_space<vmem>>) semaphore(%arg8 : memref<!tpu.dma_semaphore, #tpu.memory_space<semaphore_mem>>)
      %add3A_66 = arith.constant 4 : i32
      %add3A_67 = arith.addi %mul3A_14, %add3A_66 : i32
      %dma_start3A_68 = arith.constant 4 : i32
      %dma_start3A_69 = arith.constant 0 : i32
      %dma_start3A_70 = arith.constant 0 : i32
      %dma_start3A_71 = tpu.memref_slice %arg6[%dma_start3A_68, %dma_start3A_69, %dma_start3A_70] : memref<8x26x64xf32, #tpu.memory_space<vmem>> -> memref<1x26x64xf32, #tpu.memory_space<vmem>>
      %dma_start3A_72 = tpu.memref_squeeze %dma_start3A_71 : memref<1x26x64xf32, #tpu.memory_space<vmem>> -> memref<26x64xf32, #tpu.memory_space<vmem>>
      %dma_start3A_73 = arith.constant 0 : i32
      %dma_start3A_74 = tpu.memref_slice %arg5[%add3A_67, %dma_start3A_73] : memref<512x26xi32, #tpu.memory_space<vmem>> -> memref<1x26xi32, #tpu.memory_space<vmem>>
      %dma_start3A_75 = tpu.memref_squeeze %dma_start3A_74 : memref<1x26xi32, #tpu.memory_space<vmem>> -> memref<26xi32, #tpu.memory_space<vmem>>
      %dma_start3A_76 = arith.constant 0 : i32
      %dma_start3A_77 = arith.constant 0 : i32
      %dma_start3A_78 = tpu.memref_slice %arg3[%dma_start3A_76, %dma_start3A_77] : memref<1000000x64xf32, #tpu.memory_space<hbm>> -> memref<1000000x64xf32, #tpu.memory_space<hbm>>
      tpu.enqueue_indirect_dma source(%dma_start3A_78 : memref<1000000x64xf32, #tpu.memory_space<hbm>>) target(%dma_start3A_72 : memref<26x64xf32, #tpu.memory_space<vmem>>) offsets(%dma_start3A_75 : memref<26xi32, #tpu.memory_space<vmem>>) semaphore(%arg8 : memref<!tpu.dma_semaphore, #tpu.memory_space<semaphore_mem>>)
      %add3A_79 = arith.constant 5 : i32
      %add3A_80 = arith.addi %mul3A_14, %add3A_79 : i32
      %dma_start3A_81 = arith.constant 5 : i32
      %dma_start3A_82 = arith.constant 0 : i32
      %dma_start3A_83 = arith.constant 0 : i32
      %dma_start3A_84 = tpu.memref_slice %arg6[%dma_start3A_81, %dma_start3A_82, %dma_start3A_83] : memref<8x26x64xf32, #tpu.memory_space<vmem>> -> memref<1x26x64xf32, #tpu.memory_space<vmem>>
      %dma_start3A_85 = tpu.memref_squeeze %dma_start3A_84 : memref<1x26x64xf32, #tpu.memory_space<vmem>> -> memref<26x64xf32, #tpu.memory_space<vmem>>
      %dma_start3A_86 = arith.constant 0 : i32
      %dma_start3A_87 = tpu.memref_slice %arg5[%add3A_80, %dma_start3A_86] : memref<512x26xi32, #tpu.memory_space<vmem>> -> memref<1x26xi32, #tpu.memory_space<vmem>>
      %dma_start3A_88 = tpu.memref_squeeze %dma_start3A_87 : memref<1x26xi32, #tpu.memory_space<vmem>> -> memref<26xi32, #tpu.memory_space<vmem>>
      %dma_start3A_89 = arith.constant 0 : i32
      %dma_start3A_90 = arith.constant 0 : i32
      %dma_start3A_91 = tpu.memref_slice %arg3[%dma_start3A_89, %dma_start3A_90] : memref<1000000x64xf32, #tpu.memory_space<hbm>> -> memref<1000000x64xf32, #tpu.memory_space<hbm>>
      tpu.enqueue_indirect_dma source(%dma_start3A_91 : memref<1000000x64xf32, #tpu.memory_space<hbm>>) target(%dma_start3A_85 : memref<26x64xf32, #tpu.memory_space<vmem>>) offsets(%dma_start3A_88 : memref<26xi32, #tpu.memory_space<vmem>>) semaphore(%arg8 : memref<!tpu.dma_semaphore, #tpu.memory_space<semaphore_mem>>)
      %add3A_92 = arith.constant 6 : i32
      %add3A_93 = arith.addi %mul3A_14, %add3A_92 : i32
      %dma_start3A_94 = arith.constant 6 : i32
      %dma_start3A_95 = arith.constant 0 : i32
      %dma_start3A_96 = arith.constant 0 : i32
      %dma_start3A_97 = tpu.memref_slice %arg6[%dma_start3A_94, %dma_start3A_95, %dma_start3A_96] : memref<8x26x64xf32, #tpu.memory_space<vmem>> -> memref<1x26x64xf32, #tpu.memory_space<vmem>>
      %dma_start3A_98 = tpu.memref_squeeze %dma_start3A_97 : memref<1x26x64xf32, #tpu.memory_space<vmem>> -> memref<26x64xf32, #tpu.memory_space<vmem>>
      %dma_start3A_99 = arith.constant 0 : i32
      %dma_start3A_100 = tpu.memref_slice %arg5[%add3A_93, %dma_start3A_99] : memref<512x26xi32, #tpu.memory_space<vmem>> -> memref<1x26xi32, #tpu.memory_space<vmem>>
      %dma_start3A_101 = tpu.memref_squeeze %dma_start3A_100 : memref<1x26xi32, #tpu.memory_space<vmem>> -> memref<26xi32, #tpu.memory_space<vmem>>
      %dma_start3A_102 = arith.constant 0 : i32
      %dma_start3A_103 = arith.constant 0 : i32
      %dma_start3A_104 = tpu.memref_slice %arg3[%dma_start3A_102, %dma_start3A_103] : memref<1000000x64xf32, #tpu.memory_space<hbm>> -> memref<1000000x64xf32, #tpu.memory_space<hbm>>
      tpu.enqueue_indirect_dma source(%dma_start3A_104 : memref<1000000x64xf32, #tpu.memory_space<hbm>>) target(%dma_start3A_98 : memref<26x64xf32, #tpu.memory_space<vmem>>) offsets(%dma_start3A_101 : memref<26xi32, #tpu.memory_space<vmem>>) semaphore(%arg8 : memref<!tpu.dma_semaphore, #tpu.memory_space<semaphore_mem>>)
      %add3A_105 = arith.constant 7 : i32
      %add3A_106 = arith.addi %mul3A_14, %add3A_105 : i32
      %dma_start3A_107 = arith.constant 7 : i32
      %dma_start3A_108 = arith.constant 0 : i32
      %dma_start3A_109 = arith.constant 0 : i32
      %dma_start3A_110 = tpu.memref_slice %arg6[%dma_start3A_107, %dma_start3A_108, %dma_start3A_109] : memref<8x26x64xf32, #tpu.memory_space<vmem>> -> memref<1x26x64xf32, #tpu.memory_space<vmem>>
      %dma_start3A_111 = tpu.memref_squeeze %dma_start3A_110 : memref<1x26x64xf32, #tpu.memory_space<vmem>> -> memref<26x64xf32, #tpu.memory_space<vmem>>
      %dma_start3A_112 = arith.constant 0 : i32
      %dma_start3A_113 = tpu.memref_slice %arg5[%add3A_106, %dma_start3A_112] : memref<512x26xi32, #tpu.memory_space<vmem>> -> memref<1x26xi32, #tpu.memory_space<vmem>>
      %dma_start3A_114 = tpu.memref_squeeze %dma_start3A_113 : memref<1x26xi32, #tpu.memory_space<vmem>> -> memref<26xi32, #tpu.memory_space<vmem>>
      %dma_start3A_115 = arith.constant 0 : i32
      %dma_start3A_116 = arith.constant 0 : i32
      %dma_start3A_117 = tpu.memref_slice %arg3[%dma_start3A_115, %dma_start3A_116] : memref<1000000x64xf32, #tpu.memory_space<hbm>> -> memref<1000000x64xf32, #tpu.memory_space<hbm>>
      tpu.enqueue_indirect_dma source(%dma_start3A_117 : memref<1000000x64xf32, #tpu.memory_space<hbm>>) target(%dma_start3A_111 : memref<26x64xf32, #tpu.memory_space<vmem>>) offsets(%dma_start3A_114 : memref<26xi32, #tpu.memory_space<vmem>>) semaphore(%arg8 : memref<!tpu.dma_semaphore, #tpu.memory_space<semaphore_mem>>)
      %add3A_118 = arith.constant 1 : i32
      %add3A_119 = arith.addi %mul3A_10, %add3A_118 : i32
      %mul3A_120 = arith.constant 8 : i32
      %mul3A_121 = arith.muli %add3A_119, %mul3A_120 : i32
      %add3A_122 = arith.constant 0 : i32
      %add3A_123 = arith.addi %mul3A_121, %add3A_122 : i32
      %dma_start3A_124 = arith.constant 0 : i32
      %dma_start3A_125 = arith.constant 0 : i32
      %dma_start3A_126 = arith.constant 0 : i32
      %dma_start3A_127 = tpu.memref_slice %arg7[%dma_start3A_124, %dma_start3A_125, %dma_start3A_126] : memref<8x26x64xf32, #tpu.memory_space<vmem>> -> memref<1x26x64xf32, #tpu.memory_space<vmem>>
      %dma_start3A_128 = tpu.memref_squeeze %dma_start3A_127 : memref<1x26x64xf32, #tpu.memory_space<vmem>> -> memref<26x64xf32, #tpu.memory_space<vmem>>
      %dma_start3A_129 = arith.constant 0 : i32
      %dma_start3A_130 = tpu.memref_slice %arg5[%add3A_123, %dma_start3A_129] : memref<512x26xi32, #tpu.memory_space<vmem>> -> memref<1x26xi32, #tpu.memory_space<vmem>>
      %dma_start3A_131 = tpu.memref_squeeze %dma_start3A_130 : memref<1x26xi32, #tpu.memory_space<vmem>> -> memref<26xi32, #tpu.memory_space<vmem>>
      %dma_start3A_132 = arith.constant 0 : i32
      %dma_start3A_133 = arith.constant 0 : i32
      %dma_start3A_134 = tpu.memref_slice %arg3[%dma_start3A_132, %dma_start3A_133] : memref<1000000x64xf32, #tpu.memory_space<hbm>> -> memref<1000000x64xf32, #tpu.memory_space<hbm>>
      tpu.enqueue_indirect_dma source(%dma_start3A_134 : memref<1000000x64xf32, #tpu.memory_space<hbm>>) target(%dma_start3A_128 : memref<26x64xf32, #tpu.memory_space<vmem>>) offsets(%dma_start3A_131 : memref<26xi32, #tpu.memory_space<vmem>>) semaphore(%arg9 : memref<!tpu.dma_semaphore, #tpu.memory_space<semaphore_mem>>)
      %add3A_135 = arith.constant 1 : i32
      %add3A_136 = arith.addi %mul3A_121, %add3A_135 : i32
      %dma_start3A_137 = arith.constant 1 : i32
      %dma_start3A_138 = arith.constant 0 : i32
      %dma_start3A_139 = arith.constant 0 : i32
      %dma_start3A_140 = tpu.memref_slice %arg7[%dma_start3A_137, %dma_start3A_138, %dma_start3A_139] : memref<8x26x64xf32, #tpu.memory_space<vmem>> -> memref<1x26x64xf32, #tpu.memory_space<vmem>>
      %dma_start3A_141 = tpu.memref_squeeze %dma_start3A_140 : memref<1x26x64xf32, #tpu.memory_space<vmem>> -> memref<26x64xf32, #tpu.memory_space<vmem>>
      %dma_start3A_142 = arith.constant 0 : i32
      %dma_start3A_143 = tpu.memref_slice %arg5[%add3A_136, %dma_start3A_142] : memref<512x26xi32, #tpu.memory_space<vmem>> -> memref<1x26xi32, #tpu.memory_space<vmem>>
      %dma_start3A_144 = tpu.memref_squeeze %dma_start3A_143 : memref<1x26xi32, #tpu.memory_space<vmem>> -> memref<26xi32, #tpu.memory_space<vmem>>
      %dma_start3A_145 = arith.constant 0 : i32
      %dma_start3A_146 = arith.constant 0 : i32
      %dma_start3A_147 = tpu.memref_slice %arg3[%dma_start3A_145, %dma_start3A_146] : memref<1000000x64xf32, #tpu.memory_space<hbm>> -> memref<1000000x64xf32, #tpu.memory_space<hbm>>
      tpu.enqueue_indirect_dma source(%dma_start3A_147 : memref<1000000x64xf32, #tpu.memory_space<hbm>>) target(%dma_start3A_141 : memref<26x64xf32, #tpu.memory_space<vmem>>) offsets(%dma_start3A_144 : memref<26xi32, #tpu.memory_space<vmem>>) semaphore(%arg9 : memref<!tpu.dma_semaphore, #tpu.memory_space<semaphore_mem>>)
      %add3A_148 = arith.constant 2 : i32
      %add3A_149 = arith.addi %mul3A_121, %add3A_148 : i32
      %dma_start3A_150 = arith.constant 2 : i32
      %dma_start3A_151 = arith.constant 0 : i32
      %dma_start3A_152 = arith.constant 0 : i32
      %dma_start3A_153 = tpu.memref_slice %arg7[%dma_start3A_150, %dma_start3A_151, %dma_start3A_152] : memref<8x26x64xf32, #tpu.memory_space<vmem>> -> memref<1x26x64xf32, #tpu.memory_space<vmem>>
      %dma_start3A_154 = tpu.memref_squeeze %dma_start3A_153 : memref<1x26x64xf32, #tpu.memory_space<vmem>> -> memref<26x64xf32, #tpu.memory_space<vmem>>
      %dma_start3A_155 = arith.constant 0 : i32
      %dma_start3A_156 = tpu.memref_slice %arg5[%add3A_149, %dma_start3A_155] : memref<512x26xi32, #tpu.memory_space<vmem>> -> memref<1x26xi32, #tpu.memory_space<vmem>>
      %dma_start3A_157 = tpu.memref_squeeze %dma_start3A_156 : memref<1x26xi32, #tpu.memory_space<vmem>> -> memref<26xi32, #tpu.memory_space<vmem>>
      %dma_start3A_158 = arith.constant 0 : i32
      %dma_start3A_159 = arith.constant 0 : i32
      %dma_start3A_160 = tpu.memref_slice %arg3[%dma_start3A_158, %dma_start3A_159] : memref<1000000x64xf32, #tpu.memory_space<hbm>> -> memref<1000000x64xf32, #tpu.memory_space<hbm>>
      tpu.enqueue_indirect_dma source(%dma_start3A_160 : memref<1000000x64xf32, #tpu.memory_space<hbm>>) target(%dma_start3A_154 : memref<26x64xf32, #tpu.memory_space<vmem>>) offsets(%dma_start3A_157 : memref<26xi32, #tpu.memory_space<vmem>>) semaphore(%arg9 : memref<!tpu.dma_semaphore, #tpu.memory_space<semaphore_mem>>)
      %add3A_161 = arith.constant 3 : i32
      %add3A_162 = arith.addi %mul3A_121, %add3A_161 : i32
      %dma_start3A_163 = arith.constant 3 : i32
      %dma_start3A_164 = arith.constant 0 : i32
      %dma_start3A_165 = arith.constant 0 : i32
      %dma_start3A_166 = tpu.memref_slice %arg7[%dma_start3A_163, %dma_start3A_164, %dma_start3A_165] : memref<8x26x64xf32, #tpu.memory_space<vmem>> -> memref<1x26x64xf32, #tpu.memory_space<vmem>>
      %dma_start3A_167 = tpu.memref_squeeze %dma_start3A_166 : memref<1x26x64xf32, #tpu.memory_space<vmem>> -> memref<26x64xf32, #tpu.memory_space<vmem>>
      %dma_start3A_168 = arith.constant 0 : i32
      %dma_start3A_169 = tpu.memref_slice %arg5[%add3A_162, %dma_start3A_168] : memref<512x26xi32, #tpu.memory_space<vmem>> -> memref<1x26xi32, #tpu.memory_space<vmem>>
      %dma_start3A_170 = tpu.memref_squeeze %dma_start3A_169 : memref<1x26xi32, #tpu.memory_space<vmem>> -> memref<26xi32, #tpu.memory_space<vmem>>
      %dma_start3A_171 = arith.constant 0 : i32
      %dma_start3A_172 = arith.constant 0 : i32
      %dma_start3A_173 = tpu.memref_slice %arg3[%dma_start3A_171, %dma_start3A_172] : memref<1000000x64xf32, #tpu.memory_space<hbm>> -> memref<1000000x64xf32, #tpu.memory_space<hbm>>
      tpu.enqueue_indirect_dma source(%dma_start3A_173 : memref<1000000x64xf32, #tpu.memory_space<hbm>>) target(%dma_start3A_167 : memref<26x64xf32, #tpu.memory_space<vmem>>) offsets(%dma_start3A_170 : memref<26xi32, #tpu.memory_space<vmem>>) semaphore(%arg9 : memref<!tpu.dma_semaphore, #tpu.memory_space<semaphore_mem>>)
      %add3A_174 = arith.constant 4 : i32
      %add3A_175 = arith.addi %mul3A_121, %add3A_174 : i32
      %dma_start3A_176 = arith.constant 4 : i32
      %dma_start3A_177 = arith.constant 0 : i32
      %dma_start3A_178 = arith.constant 0 : i32
      %dma_start3A_179 = tpu.memref_slice %arg7[%dma_start3A_176, %dma_start3A_177, %dma_start3A_178] : memref<8x26x64xf32, #tpu.memory_space<vmem>> -> memref<1x26x64xf32, #tpu.memory_space<vmem>>
      %dma_start3A_180 = tpu.memref_squeeze %dma_start3A_179 : memref<1x26x64xf32, #tpu.memory_space<vmem>> -> memref<26x64xf32, #tpu.memory_space<vmem>>
      %dma_start3A_181 = arith.constant 0 : i32
      %dma_start3A_182 = tpu.memref_slice %arg5[%add3A_175, %dma_start3A_181] : memref<512x26xi32, #tpu.memory_space<vmem>> -> memref<1x26xi32, #tpu.memory_space<vmem>>
      %dma_start3A_183 = tpu.memref_squeeze %dma_start3A_182 : memref<1x26xi32, #tpu.memory_space<vmem>> -> memref<26xi32, #tpu.memory_space<vmem>>
      %dma_start3A_184 = arith.constant 0 : i32
      %dma_start3A_185 = arith.constant 0 : i32
      %dma_start3A_186 = tpu.memref_slice %arg3[%dma_start3A_184, %dma_start3A_185] : memref<1000000x64xf32, #tpu.memory_space<hbm>> -> memref<1000000x64xf32, #tpu.memory_space<hbm>>
      tpu.enqueue_indirect_dma source(%dma_start3A_186 : memref<1000000x64xf32, #tpu.memory_space<hbm>>) target(%dma_start3A_180 : memref<26x64xf32, #tpu.memory_space<vmem>>) offsets(%dma_start3A_183 : memref<26xi32, #tpu.memory_space<vmem>>) semaphore(%arg9 : memref<!tpu.dma_semaphore, #tpu.memory_space<semaphore_mem>>)
      %add3A_187 = arith.constant 5 : i32
      %add3A_188 = arith.addi %mul3A_121, %add3A_187 : i32
      %dma_start3A_189 = arith.constant 5 : i32
      %dma_start3A_190 = arith.constant 0 : i32
      %dma_start3A_191 = arith.constant 0 : i32
      %dma_start3A_192 = tpu.memref_slice %arg7[%dma_start3A_189, %dma_start3A_190, %dma_start3A_191] : memref<8x26x64xf32, #tpu.memory_space<vmem>> -> memref<1x26x64xf32, #tpu.memory_space<vmem>>
      %dma_start3A_193 = tpu.memref_squeeze %dma_start3A_192 : memref<1x26x64xf32, #tpu.memory_space<vmem>> -> memref<26x64xf32, #tpu.memory_space<vmem>>
      %dma_start3A_194 = arith.constant 0 : i32
      %dma_start3A_195 = tpu.memref_slice %arg5[%add3A_188, %dma_start3A_194] : memref<512x26xi32, #tpu.memory_space<vmem>> -> memref<1x26xi32, #tpu.memory_space<vmem>>
      %dma_start3A_196 = tpu.memref_squeeze %dma_start3A_195 : memref<1x26xi32, #tpu.memory_space<vmem>> -> memref<26xi32, #tpu.memory_space<vmem>>
      %dma_start3A_197 = arith.constant 0 : i32
      %dma_start3A_198 = arith.constant 0 : i32
      %dma_start3A_199 = tpu.memref_slice %arg3[%dma_start3A_197, %dma_start3A_198] : memref<1000000x64xf32, #tpu.memory_space<hbm>> -> memref<1000000x64xf32, #tpu.memory_space<hbm>>
      tpu.enqueue_indirect_dma source(%dma_start3A_199 : memref<1000000x64xf32, #tpu.memory_space<hbm>>) target(%dma_start3A_193 : memref<26x64xf32, #tpu.memory_space<vmem>>) offsets(%dma_start3A_196 : memref<26xi32, #tpu.memory_space<vmem>>) semaphore(%arg9 : memref<!tpu.dma_semaphore, #tpu.memory_space<semaphore_mem>>)
      %add3A_200 = arith.constant 6 : i32
      %add3A_201 = arith.addi %mul3A_121, %add3A_200 : i32
      %dma_start3A_202 = arith.constant 6 : i32
      %dma_start3A_203 = arith.constant 0 : i32
      %dma_start3A_204 = arith.constant 0 : i32
      %dma_start3A_205 = tpu.memref_slice %arg7[%dma_start3A_202, %dma_start3A_203, %dma_start3A_204] : memref<8x26x64xf32, #tpu.memory_space<vmem>> -> memref<1x26x64xf32, #tpu.memory_space<vmem>>
      %dma_start3A_206 = tpu.memref_squeeze %dma_start3A_205 : memref<1x26x64xf32, #tpu.memory_space<vmem>> -> memref<26x64xf32, #tpu.memory_space<vmem>>
      %dma_start3A_207 = arith.constant 0 : i32
      %dma_start3A_208 = tpu.memref_slice %arg5[%add3A_201, %dma_start3A_207] : memref<512x26xi32, #tpu.memory_space<vmem>> -> memref<1x26xi32, #tpu.memory_space<vmem>>
      %dma_start3A_209 = tpu.memref_squeeze %dma_start3A_208 : memref<1x26xi32, #tpu.memory_space<vmem>> -> memref<26xi32, #tpu.memory_space<vmem>>
      %dma_start3A_210 = arith.constant 0 : i32
      %dma_start3A_211 = arith.constant 0 : i32
      %dma_start3A_212 = tpu.memref_slice %arg3[%dma_start3A_210, %dma_start3A_211] : memref<1000000x64xf32, #tpu.memory_space<hbm>> -> memref<1000000x64xf32, #tpu.memory_space<hbm>>
      tpu.enqueue_indirect_dma source(%dma_start3A_212 : memref<1000000x64xf32, #tpu.memory_space<hbm>>) target(%dma_start3A_206 : memref<26x64xf32, #tpu.memory_space<vmem>>) offsets(%dma_start3A_209 : memref<26xi32, #tpu.memory_space<vmem>>) semaphore(%arg9 : memref<!tpu.dma_semaphore, #tpu.memory_space<semaphore_mem>>)
      %add3A_213 = arith.constant 7 : i32
      %add3A_214 = arith.addi %mul3A_121, %add3A_213 : i32
      %dma_start3A_215 = arith.constant 7 : i32
      %dma_start3A_216 = arith.constant 0 : i32
      %dma_start3A_217 = arith.constant 0 : i32
      %dma_start3A_218 = tpu.memref_slice %arg7[%dma_start3A_215, %dma_start3A_216, %dma_start3A_217] : memref<8x26x64xf32, #tpu.memory_space<vmem>> -> memref<1x26x64xf32, #tpu.memory_space<vmem>>
      %dma_start3A_219 = tpu.memref_squeeze %dma_start3A_218 : memref<1x26x64xf32, #tpu.memory_space<vmem>> -> memref<26x64xf32, #tpu.memory_space<vmem>>
      %dma_start3A_220 = arith.constant 0 : i32
      %dma_start3A_221 = tpu.memref_slice %arg5[%add3A_214, %dma_start3A_220] : memref<512x26xi32, #tpu.memory_space<vmem>> -> memref<1x26xi32, #tpu.memory_space<vmem>>
      %dma_start3A_222 = tpu.memref_squeeze %dma_start3A_221 : memref<1x26xi32, #tpu.memory_space<vmem>> -> memref<26xi32, #tpu.memory_space<vmem>>
      %dma_start3A_223 = arith.constant 0 : i32
      %dma_start3A_224 = arith.constant 0 : i32
      %dma_start3A_225 = tpu.memref_slice %arg3[%dma_start3A_223, %dma_start3A_224] : memref<1000000x64xf32, #tpu.memory_space<hbm>> -> memref<1000000x64xf32, #tpu.memory_space<hbm>>
      tpu.enqueue_indirect_dma source(%dma_start3A_225 : memref<1000000x64xf32, #tpu.memory_space<hbm>>) target(%dma_start3A_219 : memref<26x64xf32, #tpu.memory_space<vmem>>) offsets(%dma_start3A_222 : memref<26xi32, #tpu.memory_space<vmem>>) semaphore(%arg9 : memref<!tpu.dma_semaphore, #tpu.memory_space<semaphore_mem>>)
      %add3A_226 = arith.constant 0 : i32
      %add3A_227 = arith.addi %mul3A_10, %add3A_226 : i32
      %mul3A_228 = arith.constant 8 : i32
      %mul3A_229 = arith.muli %add3A_227, %mul3A_228 : i32
      %add3A_230 = arith.constant 0 : i32
      %add3A_231 = arith.addi %mul3A_229, %add3A_230 : i32
      %dma_wait3A = arith.constant 0 : i32
      %dma_wait3A_232 = arith.constant 0 : i32
      %dma_wait3A_233 = arith.constant 0 : i32
      %dma_wait3A_234 = tpu.memref_slice %arg6[%dma_wait3A, %dma_wait3A_232, %dma_wait3A_233] : memref<8x26x64xf32, #tpu.memory_space<vmem>> -> memref<1x26x64xf32, #tpu.memory_space<vmem>>
      %dma_wait3A_235 = tpu.memref_squeeze %dma_wait3A_234 : memref<1x26x64xf32, #tpu.memory_space<vmem>> -> memref<26x64xf32, #tpu.memory_space<vmem>>
      %dma_wait3A_236 = arith.constant 0 : i32
      %dma_wait3A_237 = tpu.memref_slice %arg5[%add3A_231, %dma_wait3A_236] : memref<512x26xi32, #tpu.memory_space<vmem>> -> memref<1x26xi32, #tpu.memory_space<vmem>>
      %dma_wait3A_238 = tpu.memref_squeeze %dma_wait3A_237 : memref<1x26xi32, #tpu.memory_space<vmem>> -> memref<26xi32, #tpu.memory_space<vmem>>
      %dma_wait3A_239 = arith.constant 0 : i32
      %dma_wait3A_240 = arith.constant 0 : i32
      %dma_wait3A_241 = tpu.memref_slice %arg3[%dma_wait3A_239, %dma_wait3A_240] : memref<1000000x64xf32, #tpu.memory_space<hbm>> -> memref<1000000x64xf32, #tpu.memory_space<hbm>>
      tpu.wait_indirect_dma semaphore(%arg8 : memref<!tpu.dma_semaphore, #tpu.memory_space<semaphore_mem>>) src(%dma_wait3A_241 : memref<1000000x64xf32, #tpu.memory_space<hbm>>) dst(%dma_wait3A_235 : memref<26x64xf32, #tpu.memory_space<vmem>>)
      %add3A_242 = arith.constant 1 : i32
      %add3A_243 = arith.addi %mul3A_229, %add3A_242 : i32
      %dma_wait3A_244 = arith.constant 1 : i32
      %dma_wait3A_245 = arith.constant 0 : i32
      %dma_wait3A_246 = arith.constant 0 : i32
      %dma_wait3A_247 = tpu.memref_slice %arg6[%dma_wait3A_244, %dma_wait3A_245, %dma_wait3A_246] : memref<8x26x64xf32, #tpu.memory_space<vmem>> -> memref<1x26x64xf32, #tpu.memory_space<vmem>>
      %dma_wait3A_248 = tpu.memref_squeeze %dma_wait3A_247 : memref<1x26x64xf32, #tpu.memory_space<vmem>> -> memref<26x64xf32, #tpu.memory_space<vmem>>
      %dma_wait3A_249 = arith.constant 0 : i32
      %dma_wait3A_250 = tpu.memref_slice %arg5[%add3A_243, %dma_wait3A_249] : memref<512x26xi32, #tpu.memory_space<vmem>> -> memref<1x26xi32, #tpu.memory_space<vmem>>
      %dma_wait3A_251 = tpu.memref_squeeze %dma_wait3A_250 : memref<1x26xi32, #tpu.memory_space<vmem>> -> memref<26xi32, #tpu.memory_space<vmem>>
      %dma_wait3A_252 = arith.constant 0 : i32
      %dma_wait3A_253 = arith.constant 0 : i32
      %dma_wait3A_254 = tpu.memref_slice %arg3[%dma_wait3A_252, %dma_wait3A_253] : memref<1000000x64xf32, #tpu.memory_space<hbm>> -> memref<1000000x64xf32, #tpu.memory_space<hbm>>
      tpu.wait_indirect_dma semaphore(%arg8 : memref<!tpu.dma_semaphore, #tpu.memory_space<semaphore_mem>>) src(%dma_wait3A_254 : memref<1000000x64xf32, #tpu.memory_space<hbm>>) dst(%dma_wait3A_248 : memref<26x64xf32, #tpu.memory_space<vmem>>)
      %add3A_255 = arith.constant 2 : i32
      %add3A_256 = arith.addi %mul3A_229, %add3A_255 : i32
      %dma_wait3A_257 = arith.constant 2 : i32
      %dma_wait3A_258 = arith.constant 0 : i32
      %dma_wait3A_259 = arith.constant 0 : i32
      %dma_wait3A_260 = tpu.memref_slice %arg6[%dma_wait3A_257, %dma_wait3A_258, %dma_wait3A_259] : memref<8x26x64xf32, #tpu.memory_space<vmem>> -> memref<1x26x64xf32, #tpu.memory_space<vmem>>
      %dma_wait3A_261 = tpu.memref_squeeze %dma_wait3A_260 : memref<1x26x64xf32, #tpu.memory_space<vmem>> -> memref<26x64xf32, #tpu.memory_space<vmem>>
      %dma_wait3A_262 = arith.constant 0 : i32
      %dma_wait3A_263 = tpu.memref_slice %arg5[%add3A_256, %dma_wait3A_262] : memref<512x26xi32, #tpu.memory_space<vmem>> -> memref<1x26xi32, #tpu.memory_space<vmem>>
      %dma_wait3A_264 = tpu.memref_squeeze %dma_wait3A_263 : memref<1x26xi32, #tpu.memory_space<vmem>> -> memref<26xi32, #tpu.memory_space<vmem>>
      %dma_wait3A_265 = arith.constant 0 : i32
      %dma_wait3A_266 = arith.constant 0 : i32
      %dma_wait3A_267 = tpu.memref_slice %arg3[%dma_wait3A_265, %dma_wait3A_266] : memref<1000000x64xf32, #tpu.memory_space<hbm>> -> memref<1000000x64xf32, #tpu.memory_space<hbm>>
      tpu.wait_indirect_dma semaphore(%arg8 : memref<!tpu.dma_semaphore, #tpu.memory_space<semaphore_mem>>) src(%dma_wait3A_267 : memref<1000000x64xf32, #tpu.memory_space<hbm>>) dst(%dma_wait3A_261 : memref<26x64xf32, #tpu.memory_space<vmem>>)
      %add3A_268 = arith.constant 3 : i32
      %add3A_269 = arith.addi %mul3A_229, %add3A_268 : i32
      %dma_wait3A_270 = arith.constant 3 : i32
      %dma_wait3A_271 = arith.constant 0 : i32
      %dma_wait3A_272 = arith.constant 0 : i32
      %dma_wait3A_273 = tpu.memref_slice %arg6[%dma_wait3A_270, %dma_wait3A_271, %dma_wait3A_272] : memref<8x26x64xf32, #tpu.memory_space<vmem>> -> memref<1x26x64xf32, #tpu.memory_space<vmem>>
      %dma_wait3A_274 = tpu.memref_squeeze %dma_wait3A_273 : memref<1x26x64xf32, #tpu.memory_space<vmem>> -> memref<26x64xf32, #tpu.memory_space<vmem>>
      %dma_wait3A_275 = arith.constant 0 : i32
      %dma_wait3A_276 = tpu.memref_slice %arg5[%add3A_269, %dma_wait3A_275] : memref<512x26xi32, #tpu.memory_space<vmem>> -> memref<1x26xi32, #tpu.memory_space<vmem>>
      %dma_wait3A_277 = tpu.memref_squeeze %dma_wait3A_276 : memref<1x26xi32, #tpu.memory_space<vmem>> -> memref<26xi32, #tpu.memory_space<vmem>>
      %dma_wait3A_278 = arith.constant 0 : i32
      %dma_wait3A_279 = arith.constant 0 : i32
      %dma_wait3A_280 = tpu.memref_slice %arg3[%dma_wait3A_278, %dma_wait3A_279] : memref<1000000x64xf32, #tpu.memory_space<hbm>> -> memref<1000000x64xf32, #tpu.memory_space<hbm>>
      tpu.wait_indirect_dma semaphore(%arg8 : memref<!tpu.dma_semaphore, #tpu.memory_space<semaphore_mem>>) src(%dma_wait3A_280 : memref<1000000x64xf32, #tpu.memory_space<hbm>>) dst(%dma_wait3A_274 : memref<26x64xf32, #tpu.memory_space<vmem>>)
      %add3A_281 = arith.constant 4 : i32
      %add3A_282 = arith.addi %mul3A_229, %add3A_281 : i32
      %dma_wait3A_283 = arith.constant 4 : i32
      %dma_wait3A_284 = arith.constant 0 : i32
      %dma_wait3A_285 = arith.constant 0 : i32
      %dma_wait3A_286 = tpu.memref_slice %arg6[%dma_wait3A_283, %dma_wait3A_284, %dma_wait3A_285] : memref<8x26x64xf32, #tpu.memory_space<vmem>> -> memref<1x26x64xf32, #tpu.memory_space<vmem>>
      %dma_wait3A_287 = tpu.memref_squeeze %dma_wait3A_286 : memref<1x26x64xf32, #tpu.memory_space<vmem>> -> memref<26x64xf32, #tpu.memory_space<vmem>>
      %dma_wait3A_288 = arith.constant 0 : i32
      %dma_wait3A_289 = tpu.memref_slice %arg5[%add3A_282, %dma_wait3A_288] : memref<512x26xi32, #tpu.memory_space<vmem>> -> memref<1x26xi32, #tpu.memory_space<vmem>>
      %dma_wait3A_290 = tpu.memref_squeeze %dma_wait3A_289 : memref<1x26xi32, #tpu.memory_space<vmem>> -> memref<26xi32, #tpu.memory_space<vmem>>
      %dma_wait3A_291 = arith.constant 0 : i32
      %dma_wait3A_292 = arith.constant 0 : i32
      %dma_wait3A_293 = tpu.memref_slice %arg3[%dma_wait3A_291, %dma_wait3A_292] : memref<1000000x64xf32, #tpu.memory_space<hbm>> -> memref<1000000x64xf32, #tpu.memory_space<hbm>>
      tpu.wait_indirect_dma semaphore(%arg8 : memref<!tpu.dma_semaphore, #tpu.memory_space<semaphore_mem>>) src(%dma_wait3A_293 : memref<1000000x64xf32, #tpu.memory_space<hbm>>) dst(%dma_wait3A_287 : memref<26x64xf32, #tpu.memory_space<vmem>>)
      %add3A_294 = arith.constant 5 : i32
      %add3A_295 = arith.addi %mul3A_229, %add3A_294 : i32
      %dma_wait3A_296 = arith.constant 5 : i32
      %dma_wait3A_297 = arith.constant 0 : i32
      %dma_wait3A_298 = arith.constant 0 : i32
      %dma_wait3A_299 = tpu.memref_slice %arg6[%dma_wait3A_296, %dma_wait3A_297, %dma_wait3A_298] : memref<8x26x64xf32, #tpu.memory_space<vmem>> -> memref<1x26x64xf32, #tpu.memory_space<vmem>>
      %dma_wait3A_300 = tpu.memref_squeeze %dma_wait3A_299 : memref<1x26x64xf32, #tpu.memory_space<vmem>> -> memref<26x64xf32, #tpu.memory_space<vmem>>
      %dma_wait3A_301 = arith.constant 0 : i32
      %dma_wait3A_302 = tpu.memref_slice %arg5[%add3A_295, %dma_wait3A_301] : memref<512x26xi32, #tpu.memory_space<vmem>> -> memref<1x26xi32, #tpu.memory_space<vmem>>
      %dma_wait3A_303 = tpu.memref_squeeze %dma_wait3A_302 : memref<1x26xi32, #tpu.memory_space<vmem>> -> memref<26xi32, #tpu.memory_space<vmem>>
      %dma_wait3A_304 = arith.constant 0 : i32
      %dma_wait3A_305 = arith.constant 0 : i32
      %dma_wait3A_306 = tpu.memref_slice %arg3[%dma_wait3A_304, %dma_wait3A_305] : memref<1000000x64xf32, #tpu.memory_space<hbm>> -> memref<1000000x64xf32, #tpu.memory_space<hbm>>
      tpu.wait_indirect_dma semaphore(%arg8 : memref<!tpu.dma_semaphore, #tpu.memory_space<semaphore_mem>>) src(%dma_wait3A_306 : memref<1000000x64xf32, #tpu.memory_space<hbm>>) dst(%dma_wait3A_300 : memref<26x64xf32, #tpu.memory_space<vmem>>)
      %add3A_307 = arith.constant 6 : i32
      %add3A_308 = arith.addi %mul3A_229, %add3A_307 : i32
      %dma_wait3A_309 = arith.constant 6 : i32
      %dma_wait3A_310 = arith.constant 0 : i32
      %dma_wait3A_311 = arith.constant 0 : i32
      %dma_wait3A_312 = tpu.memref_slice %arg6[%dma_wait3A_309, %dma_wait3A_310, %dma_wait3A_311] : memref<8x26x64xf32, #tpu.memory_space<vmem>> -> memref<1x26x64xf32, #tpu.memory_space<vmem>>
      %dma_wait3A_313 = tpu.memref_squeeze %dma_wait3A_312 : memref<1x26x64xf32, #tpu.memory_space<vmem>> -> memref<26x64xf32, #tpu.memory_space<vmem>>
      %dma_wait3A_314 = arith.constant 0 : i32
      %dma_wait3A_315 = tpu.memref_slice %arg5[%add3A_308, %dma_wait3A_314] : memref<512x26xi32, #tpu.memory_space<vmem>> -> memref<1x26xi32, #tpu.memory_space<vmem>>
      %dma_wait3A_316 = tpu.memref_squeeze %dma_wait3A_315 : memref<1x26xi32, #tpu.memory_space<vmem>> -> memref<26xi32, #tpu.memory_space<vmem>>
      %dma_wait3A_317 = arith.constant 0 : i32
      %dma_wait3A_318 = arith.constant 0 : i32
      %dma_wait3A_319 = tpu.memref_slice %arg3[%dma_wait3A_317, %dma_wait3A_318] : memref<1000000x64xf32, #tpu.memory_space<hbm>> -> memref<1000000x64xf32, #tpu.memory_space<hbm>>
      tpu.wait_indirect_dma semaphore(%arg8 : memref<!tpu.dma_semaphore, #tpu.memory_space<semaphore_mem>>) src(%dma_wait3A_319 : memref<1000000x64xf32, #tpu.memory_space<hbm>>) dst(%dma_wait3A_313 : memref<26x64xf32, #tpu.memory_space<vmem>>)
      %add3A_320 = arith.constant 7 : i32
      %add3A_321 = arith.addi %mul3A_229, %add3A_320 : i32
      %dma_wait3A_322 = arith.constant 7 : i32
      %dma_wait3A_323 = arith.constant 0 : i32
      %dma_wait3A_324 = arith.constant 0 : i32
      %dma_wait3A_325 = tpu.memref_slice %arg6[%dma_wait3A_322, %dma_wait3A_323, %dma_wait3A_324] : memref<8x26x64xf32, #tpu.memory_space<vmem>> -> memref<1x26x64xf32, #tpu.memory_space<vmem>>
      %dma_wait3A_326 = tpu.memref_squeeze %dma_wait3A_325 : memref<1x26x64xf32, #tpu.memory_space<vmem>> -> memref<26x64xf32, #tpu.memory_space<vmem>>
      %dma_wait3A_327 = arith.constant 0 : i32
      %dma_wait3A_328 = tpu.memref_slice %arg5[%add3A_321, %dma_wait3A_327] : memref<512x26xi32, #tpu.memory_space<vmem>> -> memref<1x26xi32, #tpu.memory_space<vmem>>
      %dma_wait3A_329 = tpu.memref_squeeze %dma_wait3A_328 : memref<1x26xi32, #tpu.memory_space<vmem>> -> memref<26xi32, #tpu.memory_space<vmem>>
      %dma_wait3A_330 = arith.constant 0 : i32
      %dma_wait3A_331 = arith.constant 0 : i32
      %dma_wait3A_332 = tpu.memref_slice %arg3[%dma_wait3A_330, %dma_wait3A_331] : memref<1000000x64xf32, #tpu.memory_space<hbm>> -> memref<1000000x64xf32, #tpu.memory_space<hbm>>
      tpu.wait_indirect_dma semaphore(%arg8 : memref<!tpu.dma_semaphore, #tpu.memory_space<semaphore_mem>>) src(%dma_wait3A_332 : memref<1000000x64xf32, #tpu.memory_space<hbm>>) dst(%dma_wait3A_326 : memref<26x64xf32, #tpu.memory_space<vmem>>)
      %add3A_333 = arith.addi %mul3A_2, %mul3A_229 : i32
      %add3A_334 = arith.constant 0 : i32
      %add3A_335 = arith.addi %add3A_333, %add3A_334 : i32
      %dma_start3A_336 = arith.constant 0 : i32
      %dma_start3A_337 = arith.constant 0 : i32
      %dma_start3A_338 = arith.constant 0 : i32
      %dma_start3A_339 = tpu.memref_slice %arg6[%dma_start3A_336, %dma_start3A_337, %dma_start3A_338] : memref<8x26x64xf32, #tpu.memory_space<vmem>> -> memref<1x26x64xf32, #tpu.memory_space<vmem>>
      %dma_start3A_340 = tpu.memref_squeeze %dma_start3A_339 : memref<1x26x64xf32, #tpu.memory_space<vmem>> -> memref<26x64xf32, #tpu.memory_space<vmem>>
      %dma_start3A_341 = arith.constant 0 : i32
      %dma_start3A_342 = arith.constant 0 : i32
      %dma_start3A_343 = tpu.memref_slice %arg4[%add3A_335, %dma_start3A_341, %dma_start3A_342] : memref<16384x26x64xf32, #tpu.memory_space<hbm>> -> memref<1x26x64xf32, #tpu.memory_space<hbm>>
      %dma_start3A_344 = tpu.memref_squeeze %dma_start3A_343 : memref<1x26x64xf32, #tpu.memory_space<hbm>> -> memref<26x64xf32, #tpu.memory_space<hbm>>
      %dma_start3A_345 = arith.constant 0 : i32
      %dma_start3A_346 = arith.constant 0 : i32
      %dma_start3A_347 = tpu.memref_slice %arg4[%add3A_335, %dma_start3A_345, %dma_start3A_346] : memref<16384x26x64xf32, #tpu.memory_space<hbm>> -> memref<1x26x64xf32, #tpu.memory_space<hbm>>
      %dma_start3A_348 = tpu.memref_squeeze %dma_start3A_347 : memref<1x26x64xf32, #tpu.memory_space<hbm>> -> memref<26x64xf32, #tpu.memory_space<hbm>>
      %dma_start3A_349 = arith.constant 0 : i32
      %dma_start3A_350 = arith.constant 0 : i32
      %dma_start3A_351 = tpu.memref_slice %arg6[%dma_start3A_336, %dma_start3A_349, %dma_start3A_350] : memref<8x26x64xf32, #tpu.memory_space<vmem>> -> memref<1x26x64xf32, #tpu.memory_space<vmem>>
      %dma_start3A_352 = tpu.memref_squeeze %dma_start3A_351 : memref<1x26x64xf32, #tpu.memory_space<vmem>> -> memref<26x64xf32, #tpu.memory_space<vmem>>
      tpu.enqueue_dma source(%dma_start3A_352 : memref<26x64xf32, #tpu.memory_space<vmem>>) target(%dma_start3A_348 : memref<26x64xf32, #tpu.memory_space<hbm>>) target_semaphore(%arg10 : memref<!tpu.dma_semaphore, #tpu.memory_space<semaphore_mem>>)
      %add3A_353 = arith.addi %mul3A_2, %mul3A_229 : i32
      %add3A_354 = arith.constant 1 : i32
      %add3A_355 = arith.addi %add3A_353, %add3A_354 : i32
      %dma_start3A_356 = arith.constant 1 : i32
      %dma_start3A_357 = arith.constant 0 : i32
      %dma_start3A_358 = arith.constant 0 : i32
      %dma_start3A_359 = tpu.memref_slice %arg6[%dma_start3A_356, %dma_start3A_357, %dma_start3A_358] : memref<8x26x64xf32, #tpu.memory_space<vmem>> -> memref<1x26x64xf32, #tpu.memory_space<vmem>>
      %dma_start3A_360 = tpu.memref_squeeze %dma_start3A_359 : memref<1x26x64xf32, #tpu.memory_space<vmem>> -> memref<26x64xf32, #tpu.memory_space<vmem>>
      %dma_start3A_361 = arith.constant 0 : i32
      %dma_start3A_362 = arith.constant 0 : i32
      %dma_start3A_363 = tpu.memref_slice %arg4[%add3A_355, %dma_start3A_361, %dma_start3A_362] : memref<16384x26x64xf32, #tpu.memory_space<hbm>> -> memref<1x26x64xf32, #tpu.memory_space<hbm>>
      %dma_start3A_364 = tpu.memref_squeeze %dma_start3A_363 : memref<1x26x64xf32, #tpu.memory_space<hbm>> -> memref<26x64xf32, #tpu.memory_space<hbm>>
      %dma_start3A_365 = arith.constant 0 : i32
      %dma_start3A_366 = arith.constant 0 : i32
      %dma_start3A_367 = tpu.memref_slice %arg4[%add3A_355, %dma_start3A_365, %dma_start3A_366] : memref<16384x26x64xf32, #tpu.memory_space<hbm>> -> memref<1x26x64xf32, #tpu.memory_space<hbm>>
      %dma_start3A_368 = tpu.memref_squeeze %dma_start3A_367 : memref<1x26x64xf32, #tpu.memory_space<hbm>> -> memref<26x64xf32, #tpu.memory_space<hbm>>
      %dma_start3A_369 = arith.constant 0 : i32
      %dma_start3A_370 = arith.constant 0 : i32
      %dma_start3A_371 = tpu.memref_slice %arg6[%dma_start3A_356, %dma_start3A_369, %dma_start3A_370] : memref<8x26x64xf32, #tpu.memory_space<vmem>> -> memref<1x26x64xf32, #tpu.memory_space<vmem>>
      %dma_start3A_372 = tpu.memref_squeeze %dma_start3A_371 : memref<1x26x64xf32, #tpu.memory_space<vmem>> -> memref<26x64xf32, #tpu.memory_space<vmem>>
      tpu.enqueue_dma source(%dma_start3A_372 : memref<26x64xf32, #tpu.memory_space<vmem>>) target(%dma_start3A_368 : memref<26x64xf32, #tpu.memory_space<hbm>>) target_semaphore(%arg10 : memref<!tpu.dma_semaphore, #tpu.memory_space<semaphore_mem>>)
      %add3A_373 = arith.addi %mul3A_2, %mul3A_229 : i32
      %add3A_374 = arith.constant 2 : i32
      %add3A_375 = arith.addi %add3A_373, %add3A_374 : i32
      %dma_start3A_376 = arith.constant 2 : i32
      %dma_start3A_377 = arith.constant 0 : i32
      %dma_start3A_378 = arith.constant 0 : i32
      %dma_start3A_379 = tpu.memref_slice %arg6[%dma_start3A_376, %dma_start3A_377, %dma_start3A_378] : memref<8x26x64xf32, #tpu.memory_space<vmem>> -> memref<1x26x64xf32, #tpu.memory_space<vmem>>
      %dma_start3A_380 = tpu.memref_squeeze %dma_start3A_379 : memref<1x26x64xf32, #tpu.memory_space<vmem>> -> memref<26x64xf32, #tpu.memory_space<vmem>>
      %dma_start3A_381 = arith.constant 0 : i32
      %dma_start3A_382 = arith.constant 0 : i32
      %dma_start3A_383 = tpu.memref_slice %arg4[%add3A_375, %dma_start3A_381, %dma_start3A_382] : memref<16384x26x64xf32, #tpu.memory_space<hbm>> -> memref<1x26x64xf32, #tpu.memory_space<hbm>>
      %dma_start3A_384 = tpu.memref_squeeze %dma_start3A_383 : memref<1x26x64xf32, #tpu.memory_space<hbm>> -> memref<26x64xf32, #tpu.memory_space<hbm>>
      %dma_start3A_385 = arith.constant 0 : i32
      %dma_start3A_386 = arith.constant 0 : i32
      %dma_start3A_387 = tpu.memref_slice %arg4[%add3A_375, %dma_start3A_385, %dma_start3A_386] : memref<16384x26x64xf32, #tpu.memory_space<hbm>> -> memref<1x26x64xf32, #tpu.memory_space<hbm>>
      %dma_start3A_388 = tpu.memref_squeeze %dma_start3A_387 : memref<1x26x64xf32, #tpu.memory_space<hbm>> -> memref<26x64xf32, #tpu.memory_space<hbm>>
      %dma_start3A_389 = arith.constant 0 : i32
      %dma_start3A_390 = arith.constant 0 : i32
      %dma_start3A_391 = tpu.memref_slice %arg6[%dma_start3A_376, %dma_start3A_389, %dma_start3A_390] : memref<8x26x64xf32, #tpu.memory_space<vmem>> -> memref<1x26x64xf32, #tpu.memory_space<vmem>>
      %dma_start3A_392 = tpu.memref_squeeze %dma_start3A_391 : memref<1x26x64xf32, #tpu.memory_space<vmem>> -> memref<26x64xf32, #tpu.memory_space<vmem>>
      tpu.enqueue_dma source(%dma_start3A_392 : memref<26x64xf32, #tpu.memory_space<vmem>>) target(%dma_start3A_388 : memref<26x64xf32, #tpu.memory_space<hbm>>) target_semaphore(%arg10 : memref<!tpu.dma_semaphore, #tpu.memory_space<semaphore_mem>>)
      %add3A_393 = arith.addi %mul3A_2, %mul3A_229 : i32
      %add3A_394 = arith.constant 3 : i32
      %add3A_395 = arith.addi %add3A_393, %add3A_394 : i32
      %dma_start3A_396 = arith.constant 3 : i32
      %dma_start3A_397 = arith.constant 0 : i32
      %dma_start3A_398 = arith.constant 0 : i32
      %dma_start3A_399 = tpu.memref_slice %arg6[%dma_start3A_396, %dma_start3A_397, %dma_start3A_398] : memref<8x26x64xf32, #tpu.memory_space<vmem>> -> memref<1x26x64xf32, #tpu.memory_space<vmem>>
      %dma_start3A_400 = tpu.memref_squeeze %dma_start3A_399 : memref<1x26x64xf32, #tpu.memory_space<vmem>> -> memref<26x64xf32, #tpu.memory_space<vmem>>
      %dma_start3A_401 = arith.constant 0 : i32
      %dma_start3A_402 = arith.constant 0 : i32
      %dma_start3A_403 = tpu.memref_slice %arg4[%add3A_395, %dma_start3A_401, %dma_start3A_402] : memref<16384x26x64xf32, #tpu.memory_space<hbm>> -> memref<1x26x64xf32, #tpu.memory_space<hbm>>
      %dma_start3A_404 = tpu.memref_squeeze %dma_start3A_403 : memref<1x26x64xf32, #tpu.memory_space<hbm>> -> memref<26x64xf32, #tpu.memory_space<hbm>>
      %dma_start3A_405 = arith.constant 0 : i32
      %dma_start3A_406 = arith.constant 0 : i32
      %dma_start3A_407 = tpu.memref_slice %arg4[%add3A_395, %dma_start3A_405, %dma_start3A_406] : memref<16384x26x64xf32, #tpu.memory_space<hbm>> -> memref<1x26x64xf32, #tpu.memory_space<hbm>>
      %dma_start3A_408 = tpu.memref_squeeze %dma_start3A_407 : memref<1x26x64xf32, #tpu.memory_space<hbm>> -> memref<26x64xf32, #tpu.memory_space<hbm>>
      %dma_start3A_409 = arith.constant 0 : i32
      %dma_start3A_410 = arith.constant 0 : i32
      %dma_start3A_411 = tpu.memref_slice %arg6[%dma_start3A_396, %dma_start3A_409, %dma_start3A_410] : memref<8x26x64xf32, #tpu.memory_space<vmem>> -> memref<1x26x64xf32, #tpu.memory_space<vmem>>
      %dma_start3A_412 = tpu.memref_squeeze %dma_start3A_411 : memref<1x26x64xf32, #tpu.memory_space<vmem>> -> memref<26x64xf32, #tpu.memory_space<vmem>>
      tpu.enqueue_dma source(%dma_start3A_412 : memref<26x64xf32, #tpu.memory_space<vmem>>) target(%dma_start3A_408 : memref<26x64xf32, #tpu.memory_space<hbm>>) target_semaphore(%arg10 : memref<!tpu.dma_semaphore, #tpu.memory_space<semaphore_mem>>)
      %add3A_413 = arith.addi %mul3A_2, %mul3A_229 : i32
      %add3A_414 = arith.constant 4 : i32
      %add3A_415 = arith.addi %add3A_413, %add3A_414 : i32
      %dma_start3A_416 = arith.constant 4 : i32
      %dma_start3A_417 = arith.constant 0 : i32
      %dma_start3A_418 = arith.constant 0 : i32
      %dma_start3A_419 = tpu.memref_slice %arg6[%dma_start3A_416, %dma_start3A_417, %dma_start3A_418] : memref<8x26x64xf32, #tpu.memory_space<vmem>> -> memref<1x26x64xf32, #tpu.memory_space<vmem>>
      %dma_start3A_420 = tpu.memref_squeeze %dma_start3A_419 : memref<1x26x64xf32, #tpu.memory_space<vmem>> -> memref<26x64xf32, #tpu.memory_space<vmem>>
      %dma_start3A_421 = arith.constant 0 : i32
      %dma_start3A_422 = arith.constant 0 : i32
      %dma_start3A_423 = tpu.memref_slice %arg4[%add3A_415, %dma_start3A_421, %dma_start3A_422] : memref<16384x26x64xf32, #tpu.memory_space<hbm>> -> memref<1x26x64xf32, #tpu.memory_space<hbm>>
      %dma_start3A_424 = tpu.memref_squeeze %dma_start3A_423 : memref<1x26x64xf32, #tpu.memory_space<hbm>> -> memref<26x64xf32, #tpu.memory_space<hbm>>
      %dma_start3A_425 = arith.constant 0 : i32
      %dma_start3A_426 = arith.constant 0 : i32
      %dma_start3A_427 = tpu.memref_slice %arg4[%add3A_415, %dma_start3A_425, %dma_start3A_426] : memref<16384x26x64xf32, #tpu.memory_space<hbm>> -> memref<1x26x64xf32, #tpu.memory_space<hbm>>
      %dma_start3A_428 = tpu.memref_squeeze %dma_start3A_427 : memref<1x26x64xf32, #tpu.memory_space<hbm>> -> memref<26x64xf32, #tpu.memory_space<hbm>>
      %dma_start3A_429 = arith.constant 0 : i32
      %dma_start3A_430 = arith.constant 0 : i32
      %dma_start3A_431 = tpu.memref_slice %arg6[%dma_start3A_416, %dma_start3A_429, %dma_start3A_430] : memref<8x26x64xf32, #tpu.memory_space<vmem>> -> memref<1x26x64xf32, #tpu.memory_space<vmem>>
      %dma_start3A_432 = tpu.memref_squeeze %dma_start3A_431 : memref<1x26x64xf32, #tpu.memory_space<vmem>> -> memref<26x64xf32, #tpu.memory_space<vmem>>
      tpu.enqueue_dma source(%dma_start3A_432 : memref<26x64xf32, #tpu.memory_space<vmem>>) target(%dma_start3A_428 : memref<26x64xf32, #tpu.memory_space<hbm>>) target_semaphore(%arg10 : memref<!tpu.dma_semaphore, #tpu.memory_space<semaphore_mem>>)
      %add3A_433 = arith.addi %mul3A_2, %mul3A_229 : i32
      %add3A_434 = arith.constant 5 : i32
      %add3A_435 = arith.addi %add3A_433, %add3A_434 : i32
      %dma_start3A_436 = arith.constant 5 : i32
      %dma_start3A_437 = arith.constant 0 : i32
      %dma_start3A_438 = arith.constant 0 : i32
      %dma_start3A_439 = tpu.memref_slice %arg6[%dma_start3A_436, %dma_start3A_437, %dma_start3A_438] : memref<8x26x64xf32, #tpu.memory_space<vmem>> -> memref<1x26x64xf32, #tpu.memory_space<vmem>>
      %dma_start3A_440 = tpu.memref_squeeze %dma_start3A_439 : memref<1x26x64xf32, #tpu.memory_space<vmem>> -> memref<26x64xf32, #tpu.memory_space<vmem>>
      %dma_start3A_441 = arith.constant 0 : i32
      %dma_start3A_442 = arith.constant 0 : i32
      %dma_start3A_443 = tpu.memref_slice %arg4[%add3A_435, %dma_start3A_441, %dma_start3A_442] : memref<16384x26x64xf32, #tpu.memory_space<hbm>> -> memref<1x26x64xf32, #tpu.memory_space<hbm>>
      %dma_start3A_444 = tpu.memref_squeeze %dma_start3A_443 : memref<1x26x64xf32, #tpu.memory_space<hbm>> -> memref<26x64xf32, #tpu.memory_space<hbm>>
      %dma_start3A_445 = arith.constant 0 : i32
      %dma_start3A_446 = arith.constant 0 : i32
      %dma_start3A_447 = tpu.memref_slice %arg4[%add3A_435, %dma_start3A_445, %dma_start3A_446] : memref<16384x26x64xf32, #tpu.memory_space<hbm>> -> memref<1x26x64xf32, #tpu.memory_space<hbm>>
      %dma_start3A_448 = tpu.memref_squeeze %dma_start3A_447 : memref<1x26x64xf32, #tpu.memory_space<hbm>> -> memref<26x64xf32, #tpu.memory_space<hbm>>
      %dma_start3A_449 = arith.constant 0 : i32
      %dma_start3A_450 = arith.constant 0 : i32
      %dma_start3A_451 = tpu.memref_slice %arg6[%dma_start3A_436, %dma_start3A_449, %dma_start3A_450] : memref<8x26x64xf32, #tpu.memory_space<vmem>> -> memref<1x26x64xf32, #tpu.memory_space<vmem>>
      %dma_start3A_452 = tpu.memref_squeeze %dma_start3A_451 : memref<1x26x64xf32, #tpu.memory_space<vmem>> -> memref<26x64xf32, #tpu.memory_space<vmem>>
      tpu.enqueue_dma source(%dma_start3A_452 : memref<26x64xf32, #tpu.memory_space<vmem>>) target(%dma_start3A_448 : memref<26x64xf32, #tpu.memory_space<hbm>>) target_semaphore(%arg10 : memref<!tpu.dma_semaphore, #tpu.memory_space<semaphore_mem>>)
      %add3A_453 = arith.addi %mul3A_2, %mul3A_229 : i32
      %add3A_454 = arith.constant 6 : i32
      %add3A_455 = arith.addi %add3A_453, %add3A_454 : i32
      %dma_start3A_456 = arith.constant 6 : i32
      %dma_start3A_457 = arith.constant 0 : i32
      %dma_start3A_458 = arith.constant 0 : i32
      %dma_start3A_459 = tpu.memref_slice %arg6[%dma_start3A_456, %dma_start3A_457, %dma_start3A_458] : memref<8x26x64xf32, #tpu.memory_space<vmem>> -> memref<1x26x64xf32, #tpu.memory_space<vmem>>
      %dma_start3A_460 = tpu.memref_squeeze %dma_start3A_459 : memref<1x26x64xf32, #tpu.memory_space<vmem>> -> memref<26x64xf32, #tpu.memory_space<vmem>>
      %dma_start3A_461 = arith.constant 0 : i32
      %dma_start3A_462 = arith.constant 0 : i32
      %dma_start3A_463 = tpu.memref_slice %arg4[%add3A_455, %dma_start3A_461, %dma_start3A_462] : memref<16384x26x64xf32, #tpu.memory_space<hbm>> -> memref<1x26x64xf32, #tpu.memory_space<hbm>>
      %dma_start3A_464 = tpu.memref_squeeze %dma_start3A_463 : memref<1x26x64xf32, #tpu.memory_space<hbm>> -> memref<26x64xf32, #tpu.memory_space<hbm>>
      %dma_start3A_465 = arith.constant 0 : i32
      %dma_start3A_466 = arith.constant 0 : i32
      %dma_start3A_467 = tpu.memref_slice %arg4[%add3A_455, %dma_start3A_465, %dma_start3A_466] : memref<16384x26x64xf32, #tpu.memory_space<hbm>> -> memref<1x26x64xf32, #tpu.memory_space<hbm>>
      %dma_start3A_468 = tpu.memref_squeeze %dma_start3A_467 : memref<1x26x64xf32, #tpu.memory_space<hbm>> -> memref<26x64xf32, #tpu.memory_space<hbm>>
      %dma_start3A_469 = arith.constant 0 : i32
      %dma_start3A_470 = arith.constant 0 : i32
      %dma_start3A_471 = tpu.memref_slice %arg6[%dma_start3A_456, %dma_start3A_469, %dma_start3A_470] : memref<8x26x64xf32, #tpu.memory_space<vmem>> -> memref<1x26x64xf32, #tpu.memory_space<vmem>>
      %dma_start3A_472 = tpu.memref_squeeze %dma_start3A_471 : memref<1x26x64xf32, #tpu.memory_space<vmem>> -> memref<26x64xf32, #tpu.memory_space<vmem>>
      tpu.enqueue_dma source(%dma_start3A_472 : memref<26x64xf32, #tpu.memory_space<vmem>>) target(%dma_start3A_468 : memref<26x64xf32, #tpu.memory_space<hbm>>) target_semaphore(%arg10 : memref<!tpu.dma_semaphore, #tpu.memory_space<semaphore_mem>>)
      %add3A_473 = arith.addi %mul3A_2, %mul3A_229 : i32
      %add3A_474 = arith.constant 7 : i32
      %add3A_475 = arith.addi %add3A_473, %add3A_474 : i32
      %dma_start3A_476 = arith.constant 7 : i32
      %dma_start3A_477 = arith.constant 0 : i32
      %dma_start3A_478 = arith.constant 0 : i32
      %dma_start3A_479 = tpu.memref_slice %arg6[%dma_start3A_476, %dma_start3A_477, %dma_start3A_478] : memref<8x26x64xf32, #tpu.memory_space<vmem>> -> memref<1x26x64xf32, #tpu.memory_space<vmem>>
      %dma_start3A_480 = tpu.memref_squeeze %dma_start3A_479 : memref<1x26x64xf32, #tpu.memory_space<vmem>> -> memref<26x64xf32, #tpu.memory_space<vmem>>
      %dma_start3A_481 = arith.constant 0 : i32
      %dma_start3A_482 = arith.constant 0 : i32
      %dma_start3A_483 = tpu.memref_slice %arg4[%add3A_475, %dma_start3A_481, %dma_start3A_482] : memref<16384x26x64xf32, #tpu.memory_space<hbm>> -> memref<1x26x64xf32, #tpu.memory_space<hbm>>
      %dma_start3A_484 = tpu.memref_squeeze %dma_start3A_483 : memref<1x26x64xf32, #tpu.memory_space<hbm>> -> memref<26x64xf32, #tpu.memory_space<hbm>>
      %dma_start3A_485 = arith.constant 0 : i32
      %dma_start3A_486 = arith.constant 0 : i32
      %dma_start3A_487 = tpu.memref_slice %arg4[%add3A_475, %dma_start3A_485, %dma_start3A_486] : memref<16384x26x64xf32, #tpu.memory_space<hbm>> -> memref<1x26x64xf32, #tpu.memory_space<hbm>>
      %dma_start3A_488 = tpu.memref_squeeze %dma_start3A_487 : memref<1x26x64xf32, #tpu.memory_space<hbm>> -> memref<26x64xf32, #tpu.memory_space<hbm>>
      %dma_start3A_489 = arith.constant 0 : i32
      %dma_start3A_490 = arith.constant 0 : i32
      %dma_start3A_491 = tpu.memref_slice %arg6[%dma_start3A_476, %dma_start3A_489, %dma_start3A_490] : memref<8x26x64xf32, #tpu.memory_space<vmem>> -> memref<1x26x64xf32, #tpu.memory_space<vmem>>
      %dma_start3A_492 = tpu.memref_squeeze %dma_start3A_491 : memref<1x26x64xf32, #tpu.memory_space<vmem>> -> memref<26x64xf32, #tpu.memory_space<vmem>>
      tpu.enqueue_dma source(%dma_start3A_492 : memref<26x64xf32, #tpu.memory_space<vmem>>) target(%dma_start3A_488 : memref<26x64xf32, #tpu.memory_space<hbm>>) target_semaphore(%arg10 : memref<!tpu.dma_semaphore, #tpu.memory_space<semaphore_mem>>)
      %add3A_493 = arith.constant 1 : i32
      %add3A_494 = arith.addi %mul3A_10, %add3A_493 : i32
      %mul3A_495 = arith.constant 8 : i32
      %mul3A_496 = arith.muli %add3A_494, %mul3A_495 : i32
      %add3A_497 = arith.constant 0 : i32
      %add3A_498 = arith.addi %mul3A_496, %add3A_497 : i32
      %dma_wait3A_499 = arith.constant 0 : i32
      %dma_wait3A_500 = arith.constant 0 : i32
      %dma_wait3A_501 = arith.constant 0 : i32
      %dma_wait3A_502 = tpu.memref_slice %arg7[%dma_wait3A_499, %dma_wait3A_500, %dma_wait3A_501] : memref<8x26x64xf32, #tpu.memory_space<vmem>> -> memref<1x26x64xf32, #tpu.memory_space<vmem>>
      %dma_wait3A_503 = tpu.memref_squeeze %dma_wait3A_502 : memref<1x26x64xf32, #tpu.memory_space<vmem>> -> memref<26x64xf32, #tpu.memory_space<vmem>>
      %dma_wait3A_504 = arith.constant 0 : i32
      %dma_wait3A_505 = tpu.memref_slice %arg5[%add3A_498, %dma_wait3A_504] : memref<512x26xi32, #tpu.memory_space<vmem>> -> memref<1x26xi32, #tpu.memory_space<vmem>>
      %dma_wait3A_506 = tpu.memref_squeeze %dma_wait3A_505 : memref<1x26xi32, #tpu.memory_space<vmem>> -> memref<26xi32, #tpu.memory_space<vmem>>
      %dma_wait3A_507 = arith.constant 0 : i32
      %dma_wait3A_508 = arith.constant 0 : i32
      %dma_wait3A_509 = tpu.memref_slice %arg3[%dma_wait3A_507, %dma_wait3A_508] : memref<1000000x64xf32, #tpu.memory_space<hbm>> -> memref<1000000x64xf32, #tpu.memory_space<hbm>>
      tpu.wait_indirect_dma semaphore(%arg9 : memref<!tpu.dma_semaphore, #tpu.memory_space<semaphore_mem>>) src(%dma_wait3A_509 : memref<1000000x64xf32, #tpu.memory_space<hbm>>) dst(%dma_wait3A_503 : memref<26x64xf32, #tpu.memory_space<vmem>>)
      %add3A_510 = arith.constant 1 : i32
      %add3A_511 = arith.addi %mul3A_496, %add3A_510 : i32
      %dma_wait3A_512 = arith.constant 1 : i32
      %dma_wait3A_513 = arith.constant 0 : i32
      %dma_wait3A_514 = arith.constant 0 : i32
      %dma_wait3A_515 = tpu.memref_slice %arg7[%dma_wait3A_512, %dma_wait3A_513, %dma_wait3A_514] : memref<8x26x64xf32, #tpu.memory_space<vmem>> -> memref<1x26x64xf32, #tpu.memory_space<vmem>>
      %dma_wait3A_516 = tpu.memref_squeeze %dma_wait3A_515 : memref<1x26x64xf32, #tpu.memory_space<vmem>> -> memref<26x64xf32, #tpu.memory_space<vmem>>
      %dma_wait3A_517 = arith.constant 0 : i32
      %dma_wait3A_518 = tpu.memref_slice %arg5[%add3A_511, %dma_wait3A_517] : memref<512x26xi32, #tpu.memory_space<vmem>> -> memref<1x26xi32, #tpu.memory_space<vmem>>
      %dma_wait3A_519 = tpu.memref_squeeze %dma_wait3A_518 : memref<1x26xi32, #tpu.memory_space<vmem>> -> memref<26xi32, #tpu.memory_space<vmem>>
      %dma_wait3A_520 = arith.constant 0 : i32
      %dma_wait3A_521 = arith.constant 0 : i32
      %dma_wait3A_522 = tpu.memref_slice %arg3[%dma_wait3A_520, %dma_wait3A_521] : memref<1000000x64xf32, #tpu.memory_space<hbm>> -> memref<1000000x64xf32, #tpu.memory_space<hbm>>
      tpu.wait_indirect_dma semaphore(%arg9 : memref<!tpu.dma_semaphore, #tpu.memory_space<semaphore_mem>>) src(%dma_wait3A_522 : memref<1000000x64xf32, #tpu.memory_space<hbm>>) dst(%dma_wait3A_516 : memref<26x64xf32, #tpu.memory_space<vmem>>)
      %add3A_523 = arith.constant 2 : i32
      %add3A_524 = arith.addi %mul3A_496, %add3A_523 : i32
      %dma_wait3A_525 = arith.constant 2 : i32
      %dma_wait3A_526 = arith.constant 0 : i32
      %dma_wait3A_527 = arith.constant 0 : i32
      %dma_wait3A_528 = tpu.memref_slice %arg7[%dma_wait3A_525, %dma_wait3A_526, %dma_wait3A_527] : memref<8x26x64xf32, #tpu.memory_space<vmem>> -> memref<1x26x64xf32, #tpu.memory_space<vmem>>
      %dma_wait3A_529 = tpu.memref_squeeze %dma_wait3A_528 : memref<1x26x64xf32, #tpu.memory_space<vmem>> -> memref<26x64xf32, #tpu.memory_space<vmem>>
      %dma_wait3A_530 = arith.constant 0 : i32
      %dma_wait3A_531 = tpu.memref_slice %arg5[%add3A_524, %dma_wait3A_530] : memref<512x26xi32, #tpu.memory_space<vmem>> -> memref<1x26xi32, #tpu.memory_space<vmem>>
      %dma_wait3A_532 = tpu.memref_squeeze %dma_wait3A_531 : memref<1x26xi32, #tpu.memory_space<vmem>> -> memref<26xi32, #tpu.memory_space<vmem>>
      %dma_wait3A_533 = arith.constant 0 : i32
      %dma_wait3A_534 = arith.constant 0 : i32
      %dma_wait3A_535 = tpu.memref_slice %arg3[%dma_wait3A_533, %dma_wait3A_534] : memref<1000000x64xf32, #tpu.memory_space<hbm>> -> memref<1000000x64xf32, #tpu.memory_space<hbm>>
      tpu.wait_indirect_dma semaphore(%arg9 : memref<!tpu.dma_semaphore, #tpu.memory_space<semaphore_mem>>) src(%dma_wait3A_535 : memref<1000000x64xf32, #tpu.memory_space<hbm>>) dst(%dma_wait3A_529 : memref<26x64xf32, #tpu.memory_space<vmem>>)
      %add3A_536 = arith.constant 3 : i32
      %add3A_537 = arith.addi %mul3A_496, %add3A_536 : i32
      %dma_wait3A_538 = arith.constant 3 : i32
      %dma_wait3A_539 = arith.constant 0 : i32
      %dma_wait3A_540 = arith.constant 0 : i32
      %dma_wait3A_541 = tpu.memref_slice %arg7[%dma_wait3A_538, %dma_wait3A_539, %dma_wait3A_540] : memref<8x26x64xf32, #tpu.memory_space<vmem>> -> memref<1x26x64xf32, #tpu.memory_space<vmem>>
      %dma_wait3A_542 = tpu.memref_squeeze %dma_wait3A_541 : memref<1x26x64xf32, #tpu.memory_space<vmem>> -> memref<26x64xf32, #tpu.memory_space<vmem>>
      %dma_wait3A_543 = arith.constant 0 : i32
      %dma_wait3A_544 = tpu.memref_slice %arg5[%add3A_537, %dma_wait3A_543] : memref<512x26xi32, #tpu.memory_space<vmem>> -> memref<1x26xi32, #tpu.memory_space<vmem>>
      %dma_wait3A_545 = tpu.memref_squeeze %dma_wait3A_544 : memref<1x26xi32, #tpu.memory_space<vmem>> -> memref<26xi32, #tpu.memory_space<vmem>>
      %dma_wait3A_546 = arith.constant 0 : i32
      %dma_wait3A_547 = arith.constant 0 : i32
      %dma_wait3A_548 = tpu.memref_slice %arg3[%dma_wait3A_546, %dma_wait3A_547] : memref<1000000x64xf32, #tpu.memory_space<hbm>> -> memref<1000000x64xf32, #tpu.memory_space<hbm>>
      tpu.wait_indirect_dma semaphore(%arg9 : memref<!tpu.dma_semaphore, #tpu.memory_space<semaphore_mem>>) src(%dma_wait3A_548 : memref<1000000x64xf32, #tpu.memory_space<hbm>>) dst(%dma_wait3A_542 : memref<26x64xf32, #tpu.memory_space<vmem>>)
      %add3A_549 = arith.constant 4 : i32
      %add3A_550 = arith.addi %mul3A_496, %add3A_549 : i32
      %dma_wait3A_551 = arith.constant 4 : i32
      %dma_wait3A_552 = arith.constant 0 : i32
      %dma_wait3A_553 = arith.constant 0 : i32
      %dma_wait3A_554 = tpu.memref_slice %arg7[%dma_wait3A_551, %dma_wait3A_552, %dma_wait3A_553] : memref<8x26x64xf32, #tpu.memory_space<vmem>> -> memref<1x26x64xf32, #tpu.memory_space<vmem>>
      %dma_wait3A_555 = tpu.memref_squeeze %dma_wait3A_554 : memref<1x26x64xf32, #tpu.memory_space<vmem>> -> memref<26x64xf32, #tpu.memory_space<vmem>>
      %dma_wait3A_556 = arith.constant 0 : i32
      %dma_wait3A_557 = tpu.memref_slice %arg5[%add3A_550, %dma_wait3A_556] : memref<512x26xi32, #tpu.memory_space<vmem>> -> memref<1x26xi32, #tpu.memory_space<vmem>>
      %dma_wait3A_558 = tpu.memref_squeeze %dma_wait3A_557 : memref<1x26xi32, #tpu.memory_space<vmem>> -> memref<26xi32, #tpu.memory_space<vmem>>
      %dma_wait3A_559 = arith.constant 0 : i32
      %dma_wait3A_560 = arith.constant 0 : i32
      %dma_wait3A_561 = tpu.memref_slice %arg3[%dma_wait3A_559, %dma_wait3A_560] : memref<1000000x64xf32, #tpu.memory_space<hbm>> -> memref<1000000x64xf32, #tpu.memory_space<hbm>>
      tpu.wait_indirect_dma semaphore(%arg9 : memref<!tpu.dma_semaphore, #tpu.memory_space<semaphore_mem>>) src(%dma_wait3A_561 : memref<1000000x64xf32, #tpu.memory_space<hbm>>) dst(%dma_wait3A_555 : memref<26x64xf32, #tpu.memory_space<vmem>>)
      %add3A_562 = arith.constant 5 : i32
      %add3A_563 = arith.addi %mul3A_496, %add3A_562 : i32
      %dma_wait3A_564 = arith.constant 5 : i32
      %dma_wait3A_565 = arith.constant 0 : i32
      %dma_wait3A_566 = arith.constant 0 : i32
      %dma_wait3A_567 = tpu.memref_slice %arg7[%dma_wait3A_564, %dma_wait3A_565, %dma_wait3A_566] : memref<8x26x64xf32, #tpu.memory_space<vmem>> -> memref<1x26x64xf32, #tpu.memory_space<vmem>>
      %dma_wait3A_568 = tpu.memref_squeeze %dma_wait3A_567 : memref<1x26x64xf32, #tpu.memory_space<vmem>> -> memref<26x64xf32, #tpu.memory_space<vmem>>
      %dma_wait3A_569 = arith.constant 0 : i32
      %dma_wait3A_570 = tpu.memref_slice %arg5[%add3A_563, %dma_wait3A_569] : memref<512x26xi32, #tpu.memory_space<vmem>> -> memref<1x26xi32, #tpu.memory_space<vmem>>
      %dma_wait3A_571 = tpu.memref_squeeze %dma_wait3A_570 : memref<1x26xi32, #tpu.memory_space<vmem>> -> memref<26xi32, #tpu.memory_space<vmem>>
      %dma_wait3A_572 = arith.constant 0 : i32
      %dma_wait3A_573 = arith.constant 0 : i32
      %dma_wait3A_574 = tpu.memref_slice %arg3[%dma_wait3A_572, %dma_wait3A_573] : memref<1000000x64xf32, #tpu.memory_space<hbm>> -> memref<1000000x64xf32, #tpu.memory_space<hbm>>
      tpu.wait_indirect_dma semaphore(%arg9 : memref<!tpu.dma_semaphore, #tpu.memory_space<semaphore_mem>>) src(%dma_wait3A_574 : memref<1000000x64xf32, #tpu.memory_space<hbm>>) dst(%dma_wait3A_568 : memref<26x64xf32, #tpu.memory_space<vmem>>)
      %add3A_575 = arith.constant 6 : i32
      %add3A_576 = arith.addi %mul3A_496, %add3A_575 : i32
      %dma_wait3A_577 = arith.constant 6 : i32
      %dma_wait3A_578 = arith.constant 0 : i32
      %dma_wait3A_579 = arith.constant 0 : i32
      %dma_wait3A_580 = tpu.memref_slice %arg7[%dma_wait3A_577, %dma_wait3A_578, %dma_wait3A_579] : memref<8x26x64xf32, #tpu.memory_space<vmem>> -> memref<1x26x64xf32, #tpu.memory_space<vmem>>
      %dma_wait3A_581 = tpu.memref_squeeze %dma_wait3A_580 : memref<1x26x64xf32, #tpu.memory_space<vmem>> -> memref<26x64xf32, #tpu.memory_space<vmem>>
      %dma_wait3A_582 = arith.constant 0 : i32
      %dma_wait3A_583 = tpu.memref_slice %arg5[%add3A_576, %dma_wait3A_582] : memref<512x26xi32, #tpu.memory_space<vmem>> -> memref<1x26xi32, #tpu.memory_space<vmem>>
      %dma_wait3A_584 = tpu.memref_squeeze %dma_wait3A_583 : memref<1x26xi32, #tpu.memory_space<vmem>> -> memref<26xi32, #tpu.memory_space<vmem>>
      %dma_wait3A_585 = arith.constant 0 : i32
      %dma_wait3A_586 = arith.constant 0 : i32
      %dma_wait3A_587 = tpu.memref_slice %arg3[%dma_wait3A_585, %dma_wait3A_586] : memref<1000000x64xf32, #tpu.memory_space<hbm>> -> memref<1000000x64xf32, #tpu.memory_space<hbm>>
      tpu.wait_indirect_dma semaphore(%arg9 : memref<!tpu.dma_semaphore, #tpu.memory_space<semaphore_mem>>) src(%dma_wait3A_587 : memref<1000000x64xf32, #tpu.memory_space<hbm>>) dst(%dma_wait3A_581 : memref<26x64xf32, #tpu.memory_space<vmem>>)
      %add3A_588 = arith.constant 7 : i32
      %add3A_589 = arith.addi %mul3A_496, %add3A_588 : i32
      %dma_wait3A_590 = arith.constant 7 : i32
      %dma_wait3A_591 = arith.constant 0 : i32
      %dma_wait3A_592 = arith.constant 0 : i32
      %dma_wait3A_593 = tpu.memref_slice %arg7[%dma_wait3A_590, %dma_wait3A_591, %dma_wait3A_592] : memref<8x26x64xf32, #tpu.memory_space<vmem>> -> memref<1x26x64xf32, #tpu.memory_space<vmem>>
      %dma_wait3A_594 = tpu.memref_squeeze %dma_wait3A_593 : memref<1x26x64xf32, #tpu.memory_space<vmem>> -> memref<26x64xf32, #tpu.memory_space<vmem>>
      %dma_wait3A_595 = arith.constant 0 : i32
      %dma_wait3A_596 = tpu.memref_slice %arg5[%add3A_589, %dma_wait3A_595] : memref<512x26xi32, #tpu.memory_space<vmem>> -> memref<1x26xi32, #tpu.memory_space<vmem>>
      %dma_wait3A_597 = tpu.memref_squeeze %dma_wait3A_596 : memref<1x26xi32, #tpu.memory_space<vmem>> -> memref<26xi32, #tpu.memory_space<vmem>>
      %dma_wait3A_598 = arith.constant 0 : i32
      %dma_wait3A_599 = arith.constant 0 : i32
      %dma_wait3A_600 = tpu.memref_slice %arg3[%dma_wait3A_598, %dma_wait3A_599] : memref<1000000x64xf32, #tpu.memory_space<hbm>> -> memref<1000000x64xf32, #tpu.memory_space<hbm>>
      tpu.wait_indirect_dma semaphore(%arg9 : memref<!tpu.dma_semaphore, #tpu.memory_space<semaphore_mem>>) src(%dma_wait3A_600 : memref<1000000x64xf32, #tpu.memory_space<hbm>>) dst(%dma_wait3A_594 : memref<26x64xf32, #tpu.memory_space<vmem>>)
      %add3A_601 = arith.addi %mul3A_2, %mul3A_496 : i32
      %add3A_602 = arith.constant 0 : i32
      %add3A_603 = arith.addi %add3A_601, %add3A_602 : i32
      %dma_start3A_604 = arith.constant 0 : i32
      %dma_start3A_605 = arith.constant 0 : i32
      %dma_start3A_606 = arith.constant 0 : i32
      %dma_start3A_607 = tpu.memref_slice %arg7[%dma_start3A_604, %dma_start3A_605, %dma_start3A_606] : memref<8x26x64xf32, #tpu.memory_space<vmem>> -> memref<1x26x64xf32, #tpu.memory_space<vmem>>
      %dma_start3A_608 = tpu.memref_squeeze %dma_start3A_607 : memref<1x26x64xf32, #tpu.memory_space<vmem>> -> memref<26x64xf32, #tpu.memory_space<vmem>>
      %dma_start3A_609 = arith.constant 0 : i32
      %dma_start3A_610 = arith.constant 0 : i32
      %dma_start3A_611 = tpu.memref_slice %arg4[%add3A_603, %dma_start3A_609, %dma_start3A_610] : memref<16384x26x64xf32, #tpu.memory_space<hbm>> -> memref<1x26x64xf32, #tpu.memory_space<hbm>>
      %dma_start3A_612 = tpu.memref_squeeze %dma_start3A_611 : memref<1x26x64xf32, #tpu.memory_space<hbm>> -> memref<26x64xf32, #tpu.memory_space<hbm>>
      %dma_start3A_613 = arith.constant 0 : i32
      %dma_start3A_614 = arith.constant 0 : i32
      %dma_start3A_615 = tpu.memref_slice %arg4[%add3A_603, %dma_start3A_613, %dma_start3A_614] : memref<16384x26x64xf32, #tpu.memory_space<hbm>> -> memref<1x26x64xf32, #tpu.memory_space<hbm>>
      %dma_start3A_616 = tpu.memref_squeeze %dma_start3A_615 : memref<1x26x64xf32, #tpu.memory_space<hbm>> -> memref<26x64xf32, #tpu.memory_space<hbm>>
      %dma_start3A_617 = arith.constant 0 : i32
      %dma_start3A_618 = arith.constant 0 : i32
      %dma_start3A_619 = tpu.memref_slice %arg7[%dma_start3A_604, %dma_start3A_617, %dma_start3A_618] : memref<8x26x64xf32, #tpu.memory_space<vmem>> -> memref<1x26x64xf32, #tpu.memory_space<vmem>>
      %dma_start3A_620 = tpu.memref_squeeze %dma_start3A_619 : memref<1x26x64xf32, #tpu.memory_space<vmem>> -> memref<26x64xf32, #tpu.memory_space<vmem>>
      tpu.enqueue_dma source(%dma_start3A_620 : memref<26x64xf32, #tpu.memory_space<vmem>>) target(%dma_start3A_616 : memref<26x64xf32, #tpu.memory_space<hbm>>) target_semaphore(%arg11 : memref<!tpu.dma_semaphore, #tpu.memory_space<semaphore_mem>>)
      %add3A_621 = arith.addi %mul3A_2, %mul3A_496 : i32
      %add3A_622 = arith.constant 1 : i32
      %add3A_623 = arith.addi %add3A_621, %add3A_622 : i32
      %dma_start3A_624 = arith.constant 1 : i32
      %dma_start3A_625 = arith.constant 0 : i32
      %dma_start3A_626 = arith.constant 0 : i32
      %dma_start3A_627 = tpu.memref_slice %arg7[%dma_start3A_624, %dma_start3A_625, %dma_start3A_626] : memref<8x26x64xf32, #tpu.memory_space<vmem>> -> memref<1x26x64xf32, #tpu.memory_space<vmem>>
      %dma_start3A_628 = tpu.memref_squeeze %dma_start3A_627 : memref<1x26x64xf32, #tpu.memory_space<vmem>> -> memref<26x64xf32, #tpu.memory_space<vmem>>
      %dma_start3A_629 = arith.constant 0 : i32
      %dma_start3A_630 = arith.constant 0 : i32
      %dma_start3A_631 = tpu.memref_slice %arg4[%add3A_623, %dma_start3A_629, %dma_start3A_630] : memref<16384x26x64xf32, #tpu.memory_space<hbm>> -> memref<1x26x64xf32, #tpu.memory_space<hbm>>
      %dma_start3A_632 = tpu.memref_squeeze %dma_start3A_631 : memref<1x26x64xf32, #tpu.memory_space<hbm>> -> memref<26x64xf32, #tpu.memory_space<hbm>>
      %dma_start3A_633 = arith.constant 0 : i32
      %dma_start3A_634 = arith.constant 0 : i32
      %dma_start3A_635 = tpu.memref_slice %arg4[%add3A_623, %dma_start3A_633, %dma_start3A_634] : memref<16384x26x64xf32, #tpu.memory_space<hbm>> -> memref<1x26x64xf32, #tpu.memory_space<hbm>>
      %dma_start3A_636 = tpu.memref_squeeze %dma_start3A_635 : memref<1x26x64xf32, #tpu.memory_space<hbm>> -> memref<26x64xf32, #tpu.memory_space<hbm>>
      %dma_start3A_637 = arith.constant 0 : i32
      %dma_start3A_638 = arith.constant 0 : i32
      %dma_start3A_639 = tpu.memref_slice %arg7[%dma_start3A_624, %dma_start3A_637, %dma_start3A_638] : memref<8x26x64xf32, #tpu.memory_space<vmem>> -> memref<1x26x64xf32, #tpu.memory_space<vmem>>
      %dma_start3A_640 = tpu.memref_squeeze %dma_start3A_639 : memref<1x26x64xf32, #tpu.memory_space<vmem>> -> memref<26x64xf32, #tpu.memory_space<vmem>>
      tpu.enqueue_dma source(%dma_start3A_640 : memref<26x64xf32, #tpu.memory_space<vmem>>) target(%dma_start3A_636 : memref<26x64xf32, #tpu.memory_space<hbm>>) target_semaphore(%arg11 : memref<!tpu.dma_semaphore, #tpu.memory_space<semaphore_mem>>)
      %add3A_641 = arith.addi %mul3A_2, %mul3A_496 : i32
      %add3A_642 = arith.constant 2 : i32
      %add3A_643 = arith.addi %add3A_641, %add3A_642 : i32
      %dma_start3A_644 = arith.constant 2 : i32
      %dma_start3A_645 = arith.constant 0 : i32
      %dma_start3A_646 = arith.constant 0 : i32
      %dma_start3A_647 = tpu.memref_slice %arg7[%dma_start3A_644, %dma_start3A_645, %dma_start3A_646] : memref<8x26x64xf32, #tpu.memory_space<vmem>> -> memref<1x26x64xf32, #tpu.memory_space<vmem>>
      %dma_start3A_648 = tpu.memref_squeeze %dma_start3A_647 : memref<1x26x64xf32, #tpu.memory_space<vmem>> -> memref<26x64xf32, #tpu.memory_space<vmem>>
      %dma_start3A_649 = arith.constant 0 : i32
      %dma_start3A_650 = arith.constant 0 : i32
      %dma_start3A_651 = tpu.memref_slice %arg4[%add3A_643, %dma_start3A_649, %dma_start3A_650] : memref<16384x26x64xf32, #tpu.memory_space<hbm>> -> memref<1x26x64xf32, #tpu.memory_space<hbm>>
      %dma_start3A_652 = tpu.memref_squeeze %dma_start3A_651 : memref<1x26x64xf32, #tpu.memory_space<hbm>> -> memref<26x64xf32, #tpu.memory_space<hbm>>
      %dma_start3A_653 = arith.constant 0 : i32
      %dma_start3A_654 = arith.constant 0 : i32
      %dma_start3A_655 = tpu.memref_slice %arg4[%add3A_643, %dma_start3A_653, %dma_start3A_654] : memref<16384x26x64xf32, #tpu.memory_space<hbm>> -> memref<1x26x64xf32, #tpu.memory_space<hbm>>
      %dma_start3A_656 = tpu.memref_squeeze %dma_start3A_655 : memref<1x26x64xf32, #tpu.memory_space<hbm>> -> memref<26x64xf32, #tpu.memory_space<hbm>>
      %dma_start3A_657 = arith.constant 0 : i32
      %dma_start3A_658 = arith.constant 0 : i32
      %dma_start3A_659 = tpu.memref_slice %arg7[%dma_start3A_644, %dma_start3A_657, %dma_start3A_658] : memref<8x26x64xf32, #tpu.memory_space<vmem>> -> memref<1x26x64xf32, #tpu.memory_space<vmem>>
      %dma_start3A_660 = tpu.memref_squeeze %dma_start3A_659 : memref<1x26x64xf32, #tpu.memory_space<vmem>> -> memref<26x64xf32, #tpu.memory_space<vmem>>
      tpu.enqueue_dma source(%dma_start3A_660 : memref<26x64xf32, #tpu.memory_space<vmem>>) target(%dma_start3A_656 : memref<26x64xf32, #tpu.memory_space<hbm>>) target_semaphore(%arg11 : memref<!tpu.dma_semaphore, #tpu.memory_space<semaphore_mem>>)
      %add3A_661 = arith.addi %mul3A_2, %mul3A_496 : i32
      %add3A_662 = arith.constant 3 : i32
      %add3A_663 = arith.addi %add3A_661, %add3A_662 : i32
      %dma_start3A_664 = arith.constant 3 : i32
      %dma_start3A_665 = arith.constant 0 : i32
      %dma_start3A_666 = arith.constant 0 : i32
      %dma_start3A_667 = tpu.memref_slice %arg7[%dma_start3A_664, %dma_start3A_665, %dma_start3A_666] : memref<8x26x64xf32, #tpu.memory_space<vmem>> -> memref<1x26x64xf32, #tpu.memory_space<vmem>>
      %dma_start3A_668 = tpu.memref_squeeze %dma_start3A_667 : memref<1x26x64xf32, #tpu.memory_space<vmem>> -> memref<26x64xf32, #tpu.memory_space<vmem>>
      %dma_start3A_669 = arith.constant 0 : i32
      %dma_start3A_670 = arith.constant 0 : i32
      %dma_start3A_671 = tpu.memref_slice %arg4[%add3A_663, %dma_start3A_669, %dma_start3A_670] : memref<16384x26x64xf32, #tpu.memory_space<hbm>> -> memref<1x26x64xf32, #tpu.memory_space<hbm>>
      %dma_start3A_672 = tpu.memref_squeeze %dma_start3A_671 : memref<1x26x64xf32, #tpu.memory_space<hbm>> -> memref<26x64xf32, #tpu.memory_space<hbm>>
      %dma_start3A_673 = arith.constant 0 : i32
      %dma_start3A_674 = arith.constant 0 : i32
      %dma_start3A_675 = tpu.memref_slice %arg4[%add3A_663, %dma_start3A_673, %dma_start3A_674] : memref<16384x26x64xf32, #tpu.memory_space<hbm>> -> memref<1x26x64xf32, #tpu.memory_space<hbm>>
      %dma_start3A_676 = tpu.memref_squeeze %dma_start3A_675 : memref<1x26x64xf32, #tpu.memory_space<hbm>> -> memref<26x64xf32, #tpu.memory_space<hbm>>
      %dma_start3A_677 = arith.constant 0 : i32
      %dma_start3A_678 = arith.constant 0 : i32
      %dma_start3A_679 = tpu.memref_slice %arg7[%dma_start3A_664, %dma_start3A_677, %dma_start3A_678] : memref<8x26x64xf32, #tpu.memory_space<vmem>> -> memref<1x26x64xf32, #tpu.memory_space<vmem>>
      %dma_start3A_680 = tpu.memref_squeeze %dma_start3A_679 : memref<1x26x64xf32, #tpu.memory_space<vmem>> -> memref<26x64xf32, #tpu.memory_space<vmem>>
      tpu.enqueue_dma source(%dma_start3A_680 : memref<26x64xf32, #tpu.memory_space<vmem>>) target(%dma_start3A_676 : memref<26x64xf32, #tpu.memory_space<hbm>>) target_semaphore(%arg11 : memref<!tpu.dma_semaphore, #tpu.memory_space<semaphore_mem>>)
      %add3A_681 = arith.addi %mul3A_2, %mul3A_496 : i32
      %add3A_682 = arith.constant 4 : i32
      %add3A_683 = arith.addi %add3A_681, %add3A_682 : i32
      %dma_start3A_684 = arith.constant 4 : i32
      %dma_start3A_685 = arith.constant 0 : i32
      %dma_start3A_686 = arith.constant 0 : i32
      %dma_start3A_687 = tpu.memref_slice %arg7[%dma_start3A_684, %dma_start3A_685, %dma_start3A_686] : memref<8x26x64xf32, #tpu.memory_space<vmem>> -> memref<1x26x64xf32, #tpu.memory_space<vmem>>
      %dma_start3A_688 = tpu.memref_squeeze %dma_start3A_687 : memref<1x26x64xf32, #tpu.memory_space<vmem>> -> memref<26x64xf32, #tpu.memory_space<vmem>>
      %dma_start3A_689 = arith.constant 0 : i32
      %dma_start3A_690 = arith.constant 0 : i32
      %dma_start3A_691 = tpu.memref_slice %arg4[%add3A_683, %dma_start3A_689, %dma_start3A_690] : memref<16384x26x64xf32, #tpu.memory_space<hbm>> -> memref<1x26x64xf32, #tpu.memory_space<hbm>>
      %dma_start3A_692 = tpu.memref_squeeze %dma_start3A_691 : memref<1x26x64xf32, #tpu.memory_space<hbm>> -> memref<26x64xf32, #tpu.memory_space<hbm>>
      %dma_start3A_693 = arith.constant 0 : i32
      %dma_start3A_694 = arith.constant 0 : i32
      %dma_start3A_695 = tpu.memref_slice %arg4[%add3A_683, %dma_start3A_693, %dma_start3A_694] : memref<16384x26x64xf32, #tpu.memory_space<hbm>> -> memref<1x26x64xf32, #tpu.memory_space<hbm>>
      %dma_start3A_696 = tpu.memref_squeeze %dma_start3A_695 : memref<1x26x64xf32, #tpu.memory_space<hbm>> -> memref<26x64xf32, #tpu.memory_space<hbm>>
      %dma_start3A_697 = arith.constant 0 : i32
      %dma_start3A_698 = arith.constant 0 : i32
      %dma_start3A_699 = tpu.memref_slice %arg7[%dma_start3A_684, %dma_start3A_697, %dma_start3A_698] : memref<8x26x64xf32, #tpu.memory_space<vmem>> -> memref<1x26x64xf32, #tpu.memory_space<vmem>>
      %dma_start3A_700 = tpu.memref_squeeze %dma_start3A_699 : memref<1x26x64xf32, #tpu.memory_space<vmem>> -> memref<26x64xf32, #tpu.memory_space<vmem>>
      tpu.enqueue_dma source(%dma_start3A_700 : memref<26x64xf32, #tpu.memory_space<vmem>>) target(%dma_start3A_696 : memref<26x64xf32, #tpu.memory_space<hbm>>) target_semaphore(%arg11 : memref<!tpu.dma_semaphore, #tpu.memory_space<semaphore_mem>>)
      %add3A_701 = arith.addi %mul3A_2, %mul3A_496 : i32
      %add3A_702 = arith.constant 5 : i32
      %add3A_703 = arith.addi %add3A_701, %add3A_702 : i32
      %dma_start3A_704 = arith.constant 5 : i32
      %dma_start3A_705 = arith.constant 0 : i32
      %dma_start3A_706 = arith.constant 0 : i32
      %dma_start3A_707 = tpu.memref_slice %arg7[%dma_start3A_704, %dma_start3A_705, %dma_start3A_706] : memref<8x26x64xf32, #tpu.memory_space<vmem>> -> memref<1x26x64xf32, #tpu.memory_space<vmem>>
      %dma_start3A_708 = tpu.memref_squeeze %dma_start3A_707 : memref<1x26x64xf32, #tpu.memory_space<vmem>> -> memref<26x64xf32, #tpu.memory_space<vmem>>
      %dma_start3A_709 = arith.constant 0 : i32
      %dma_start3A_710 = arith.constant 0 : i32
      %dma_start3A_711 = tpu.memref_slice %arg4[%add3A_703, %dma_start3A_709, %dma_start3A_710] : memref<16384x26x64xf32, #tpu.memory_space<hbm>> -> memref<1x26x64xf32, #tpu.memory_space<hbm>>
      %dma_start3A_712 = tpu.memref_squeeze %dma_start3A_711 : memref<1x26x64xf32, #tpu.memory_space<hbm>> -> memref<26x64xf32, #tpu.memory_space<hbm>>
      %dma_start3A_713 = arith.constant 0 : i32
      %dma_start3A_714 = arith.constant 0 : i32
      %dma_start3A_715 = tpu.memref_slice %arg4[%add3A_703, %dma_start3A_713, %dma_start3A_714] : memref<16384x26x64xf32, #tpu.memory_space<hbm>> -> memref<1x26x64xf32, #tpu.memory_space<hbm>>
      %dma_start3A_716 = tpu.memref_squeeze %dma_start3A_715 : memref<1x26x64xf32, #tpu.memory_space<hbm>> -> memref<26x64xf32, #tpu.memory_space<hbm>>
      %dma_start3A_717 = arith.constant 0 : i32
      %dma_start3A_718 = arith.constant 0 : i32
      %dma_start3A_719 = tpu.memref_slice %arg7[%dma_start3A_704, %dma_start3A_717, %dma_start3A_718] : memref<8x26x64xf32, #tpu.memory_space<vmem>> -> memref<1x26x64xf32, #tpu.memory_space<vmem>>
      %dma_start3A_720 = tpu.memref_squeeze %dma_start3A_719 : memref<1x26x64xf32, #tpu.memory_space<vmem>> -> memref<26x64xf32, #tpu.memory_space<vmem>>
      tpu.enqueue_dma source(%dma_start3A_720 : memref<26x64xf32, #tpu.memory_space<vmem>>) target(%dma_start3A_716 : memref<26x64xf32, #tpu.memory_space<hbm>>) target_semaphore(%arg11 : memref<!tpu.dma_semaphore, #tpu.memory_space<semaphore_mem>>)
      %add3A_721 = arith.addi %mul3A_2, %mul3A_496 : i32
      %add3A_722 = arith.constant 6 : i32
      %add3A_723 = arith.addi %add3A_721, %add3A_722 : i32
      %dma_start3A_724 = arith.constant 6 : i32
      %dma_start3A_725 = arith.constant 0 : i32
      %dma_start3A_726 = arith.constant 0 : i32
      %dma_start3A_727 = tpu.memref_slice %arg7[%dma_start3A_724, %dma_start3A_725, %dma_start3A_726] : memref<8x26x64xf32, #tpu.memory_space<vmem>> -> memref<1x26x64xf32, #tpu.memory_space<vmem>>
      %dma_start3A_728 = tpu.memref_squeeze %dma_start3A_727 : memref<1x26x64xf32, #tpu.memory_space<vmem>> -> memref<26x64xf32, #tpu.memory_space<vmem>>
      %dma_start3A_729 = arith.constant 0 : i32
      %dma_start3A_730 = arith.constant 0 : i32
      %dma_start3A_731 = tpu.memref_slice %arg4[%add3A_723, %dma_start3A_729, %dma_start3A_730] : memref<16384x26x64xf32, #tpu.memory_space<hbm>> -> memref<1x26x64xf32, #tpu.memory_space<hbm>>
      %dma_start3A_732 = tpu.memref_squeeze %dma_start3A_731 : memref<1x26x64xf32, #tpu.memory_space<hbm>> -> memref<26x64xf32, #tpu.memory_space<hbm>>
      %dma_start3A_733 = arith.constant 0 : i32
      %dma_start3A_734 = arith.constant 0 : i32
      %dma_start3A_735 = tpu.memref_slice %arg4[%add3A_723, %dma_start3A_733, %dma_start3A_734] : memref<16384x26x64xf32, #tpu.memory_space<hbm>> -> memref<1x26x64xf32, #tpu.memory_space<hbm>>
      %dma_start3A_736 = tpu.memref_squeeze %dma_start3A_735 : memref<1x26x64xf32, #tpu.memory_space<hbm>> -> memref<26x64xf32, #tpu.memory_space<hbm>>
      %dma_start3A_737 = arith.constant 0 : i32
      %dma_start3A_738 = arith.constant 0 : i32
      %dma_start3A_739 = tpu.memref_slice %arg7[%dma_start3A_724, %dma_start3A_737, %dma_start3A_738] : memref<8x26x64xf32, #tpu.memory_space<vmem>> -> memref<1x26x64xf32, #tpu.memory_space<vmem>>
      %dma_start3A_740 = tpu.memref_squeeze %dma_start3A_739 : memref<1x26x64xf32, #tpu.memory_space<vmem>> -> memref<26x64xf32, #tpu.memory_space<vmem>>
      tpu.enqueue_dma source(%dma_start3A_740 : memref<26x64xf32, #tpu.memory_space<vmem>>) target(%dma_start3A_736 : memref<26x64xf32, #tpu.memory_space<hbm>>) target_semaphore(%arg11 : memref<!tpu.dma_semaphore, #tpu.memory_space<semaphore_mem>>)
      %add3A_741 = arith.addi %mul3A_2, %mul3A_496 : i32
      %add3A_742 = arith.constant 7 : i32
      %add3A_743 = arith.addi %add3A_741, %add3A_742 : i32
      %dma_start3A_744 = arith.constant 7 : i32
      %dma_start3A_745 = arith.constant 0 : i32
      %dma_start3A_746 = arith.constant 0 : i32
      %dma_start3A_747 = tpu.memref_slice %arg7[%dma_start3A_744, %dma_start3A_745, %dma_start3A_746] : memref<8x26x64xf32, #tpu.memory_space<vmem>> -> memref<1x26x64xf32, #tpu.memory_space<vmem>>
      %dma_start3A_748 = tpu.memref_squeeze %dma_start3A_747 : memref<1x26x64xf32, #tpu.memory_space<vmem>> -> memref<26x64xf32, #tpu.memory_space<vmem>>
      %dma_start3A_749 = arith.constant 0 : i32
      %dma_start3A_750 = arith.constant 0 : i32
      %dma_start3A_751 = tpu.memref_slice %arg4[%add3A_743, %dma_start3A_749, %dma_start3A_750] : memref<16384x26x64xf32, #tpu.memory_space<hbm>> -> memref<1x26x64xf32, #tpu.memory_space<hbm>>
      %dma_start3A_752 = tpu.memref_squeeze %dma_start3A_751 : memref<1x26x64xf32, #tpu.memory_space<hbm>> -> memref<26x64xf32, #tpu.memory_space<hbm>>
      %dma_start3A_753 = arith.constant 0 : i32
      %dma_start3A_754 = arith.constant 0 : i32
      %dma_start3A_755 = tpu.memref_slice %arg4[%add3A_743, %dma_start3A_753, %dma_start3A_754] : memref<16384x26x64xf32, #tpu.memory_space<hbm>> -> memref<1x26x64xf32, #tpu.memory_space<hbm>>
      %dma_start3A_756 = tpu.memref_squeeze %dma_start3A_755 : memref<1x26x64xf32, #tpu.memory_space<hbm>> -> memref<26x64xf32, #tpu.memory_space<hbm>>
      %dma_start3A_757 = arith.constant 0 : i32
      %dma_start3A_758 = arith.constant 0 : i32
      %dma_start3A_759 = tpu.memref_slice %arg7[%dma_start3A_744, %dma_start3A_757, %dma_start3A_758] : memref<8x26x64xf32, #tpu.memory_space<vmem>> -> memref<1x26x64xf32, #tpu.memory_space<vmem>>
      %dma_start3A_760 = tpu.memref_squeeze %dma_start3A_759 : memref<1x26x64xf32, #tpu.memory_space<vmem>> -> memref<26x64xf32, #tpu.memory_space<vmem>>
      tpu.enqueue_dma source(%dma_start3A_760 : memref<26x64xf32, #tpu.memory_space<vmem>>) target(%dma_start3A_756 : memref<26x64xf32, #tpu.memory_space<hbm>>) target_semaphore(%arg11 : memref<!tpu.dma_semaphore, #tpu.memory_space<semaphore_mem>>)
      %add3A_761 = arith.constant 0 : i32
      %add3A_762 = arith.addi %mul3A_10, %add3A_761 : i32
      %mul3A_763 = arith.constant 8 : i32
      %mul3A_764 = arith.muli %add3A_762, %mul3A_763 : i32
      %add3A_765 = arith.addi %mul3A_2, %mul3A_764 : i32
      %add3A_766 = arith.constant 0 : i32
      %add3A_767 = arith.addi %add3A_765, %add3A_766 : i32
      %dma_wait3A_768 = arith.constant 0 : i32
      %dma_wait3A_769 = arith.constant 0 : i32
      %dma_wait3A_770 = arith.constant 0 : i32
      %dma_wait3A_771 = tpu.memref_slice %arg6[%dma_wait3A_768, %dma_wait3A_769, %dma_wait3A_770] : memref<8x26x64xf32, #tpu.memory_space<vmem>> -> memref<1x26x64xf32, #tpu.memory_space<vmem>>
      %dma_wait3A_772 = tpu.memref_squeeze %dma_wait3A_771 : memref<1x26x64xf32, #tpu.memory_space<vmem>> -> memref<26x64xf32, #tpu.memory_space<vmem>>
      %dma_wait3A_773 = arith.constant 0 : i32
      %dma_wait3A_774 = arith.constant 0 : i32
      %dma_wait3A_775 = tpu.memref_slice %arg4[%add3A_767, %dma_wait3A_773, %dma_wait3A_774] : memref<16384x26x64xf32, #tpu.memory_space<hbm>> -> memref<1x26x64xf32, #tpu.memory_space<hbm>>
      %dma_wait3A_776 = tpu.memref_squeeze %dma_wait3A_775 : memref<1x26x64xf32, #tpu.memory_space<hbm>> -> memref<26x64xf32, #tpu.memory_space<hbm>>
      %dma_wait3A_777 = arith.constant 0 : i32
      %dma_wait3A_778 = arith.constant 0 : i32
      %dma_wait3A_779 = tpu.memref_slice %arg4[%add3A_767, %dma_wait3A_777, %dma_wait3A_778] : memref<16384x26x64xf32, #tpu.memory_space<hbm>> -> memref<1x26x64xf32, #tpu.memory_space<hbm>>
      %dma_wait3A_780 = tpu.memref_squeeze %dma_wait3A_779 : memref<1x26x64xf32, #tpu.memory_space<hbm>> -> memref<26x64xf32, #tpu.memory_space<hbm>>
      %dma_wait3A_781 = arith.constant 0 : i32
      %dma_wait3A_782 = arith.constant 0 : i32
      %dma_wait3A_783 = tpu.memref_slice %arg6[%dma_wait3A_768, %dma_wait3A_781, %dma_wait3A_782] : memref<8x26x64xf32, #tpu.memory_space<vmem>> -> memref<1x26x64xf32, #tpu.memory_space<vmem>>
      %dma_wait3A_784 = tpu.memref_squeeze %dma_wait3A_783 : memref<1x26x64xf32, #tpu.memory_space<vmem>> -> memref<26x64xf32, #tpu.memory_space<vmem>>
      tpu.wait_dma2 semaphore(%arg10 : memref<!tpu.dma_semaphore, #tpu.memory_space<semaphore_mem>>) src(%dma_wait3A_784 : memref<26x64xf32, #tpu.memory_space<vmem>>) dst(%dma_wait3A_780 : memref<26x64xf32, #tpu.memory_space<hbm>>)
      %add3A_785 = arith.addi %mul3A_2, %mul3A_764 : i32
      %add3A_786 = arith.constant 1 : i32
      %add3A_787 = arith.addi %add3A_785, %add3A_786 : i32
      %dma_wait3A_788 = arith.constant 1 : i32
      %dma_wait3A_789 = arith.constant 0 : i32
      %dma_wait3A_790 = arith.constant 0 : i32
      %dma_wait3A_791 = tpu.memref_slice %arg6[%dma_wait3A_788, %dma_wait3A_789, %dma_wait3A_790] : memref<8x26x64xf32, #tpu.memory_space<vmem>> -> memref<1x26x64xf32, #tpu.memory_space<vmem>>
      %dma_wait3A_792 = tpu.memref_squeeze %dma_wait3A_791 : memref<1x26x64xf32, #tpu.memory_space<vmem>> -> memref<26x64xf32, #tpu.memory_space<vmem>>
      %dma_wait3A_793 = arith.constant 0 : i32
      %dma_wait3A_794 = arith.constant 0 : i32
      %dma_wait3A_795 = tpu.memref_slice %arg4[%add3A_787, %dma_wait3A_793, %dma_wait3A_794] : memref<16384x26x64xf32, #tpu.memory_space<hbm>> -> memref<1x26x64xf32, #tpu.memory_space<hbm>>
      %dma_wait3A_796 = tpu.memref_squeeze %dma_wait3A_795 : memref<1x26x64xf32, #tpu.memory_space<hbm>> -> memref<26x64xf32, #tpu.memory_space<hbm>>
      %dma_wait3A_797 = arith.constant 0 : i32
      %dma_wait3A_798 = arith.constant 0 : i32
      %dma_wait3A_799 = tpu.memref_slice %arg4[%add3A_787, %dma_wait3A_797, %dma_wait3A_798] : memref<16384x26x64xf32, #tpu.memory_space<hbm>> -> memref<1x26x64xf32, #tpu.memory_space<hbm>>
      %dma_wait3A_800 = tpu.memref_squeeze %dma_wait3A_799 : memref<1x26x64xf32, #tpu.memory_space<hbm>> -> memref<26x64xf32, #tpu.memory_space<hbm>>
      %dma_wait3A_801 = arith.constant 0 : i32
      %dma_wait3A_802 = arith.constant 0 : i32
      %dma_wait3A_803 = tpu.memref_slice %arg6[%dma_wait3A_788, %dma_wait3A_801, %dma_wait3A_802] : memref<8x26x64xf32, #tpu.memory_space<vmem>> -> memref<1x26x64xf32, #tpu.memory_space<vmem>>
      %dma_wait3A_804 = tpu.memref_squeeze %dma_wait3A_803 : memref<1x26x64xf32, #tpu.memory_space<vmem>> -> memref<26x64xf32, #tpu.memory_space<vmem>>
      tpu.wait_dma2 semaphore(%arg10 : memref<!tpu.dma_semaphore, #tpu.memory_space<semaphore_mem>>) src(%dma_wait3A_804 : memref<26x64xf32, #tpu.memory_space<vmem>>) dst(%dma_wait3A_800 : memref<26x64xf32, #tpu.memory_space<hbm>>)
      %add3A_805 = arith.addi %mul3A_2, %mul3A_764 : i32
      %add3A_806 = arith.constant 2 : i32
      %add3A_807 = arith.addi %add3A_805, %add3A_806 : i32
      %dma_wait3A_808 = arith.constant 2 : i32
      %dma_wait3A_809 = arith.constant 0 : i32
      %dma_wait3A_810 = arith.constant 0 : i32
      %dma_wait3A_811 = tpu.memref_slice %arg6[%dma_wait3A_808, %dma_wait3A_809, %dma_wait3A_810] : memref<8x26x64xf32, #tpu.memory_space<vmem>> -> memref<1x26x64xf32, #tpu.memory_space<vmem>>
      %dma_wait3A_812 = tpu.memref_squeeze %dma_wait3A_811 : memref<1x26x64xf32, #tpu.memory_space<vmem>> -> memref<26x64xf32, #tpu.memory_space<vmem>>
      %dma_wait3A_813 = arith.constant 0 : i32
      %dma_wait3A_814 = arith.constant 0 : i32
      %dma_wait3A_815 = tpu.memref_slice %arg4[%add3A_807, %dma_wait3A_813, %dma_wait3A_814] : memref<16384x26x64xf32, #tpu.memory_space<hbm>> -> memref<1x26x64xf32, #tpu.memory_space<hbm>>
      %dma_wait3A_816 = tpu.memref_squeeze %dma_wait3A_815 : memref<1x26x64xf32, #tpu.memory_space<hbm>> -> memref<26x64xf32, #tpu.memory_space<hbm>>
      %dma_wait3A_817 = arith.constant 0 : i32
      %dma_wait3A_818 = arith.constant 0 : i32
      %dma_wait3A_819 = tpu.memref_slice %arg4[%add3A_807, %dma_wait3A_817, %dma_wait3A_818] : memref<16384x26x64xf32, #tpu.memory_space<hbm>> -> memref<1x26x64xf32, #tpu.memory_space<hbm>>
      %dma_wait3A_820 = tpu.memref_squeeze %dma_wait3A_819 : memref<1x26x64xf32, #tpu.memory_space<hbm>> -> memref<26x64xf32, #tpu.memory_space<hbm>>
      %dma_wait3A_821 = arith.constant 0 : i32
      %dma_wait3A_822 = arith.constant 0 : i32
      %dma_wait3A_823 = tpu.memref_slice %arg6[%dma_wait3A_808, %dma_wait3A_821, %dma_wait3A_822] : memref<8x26x64xf32, #tpu.memory_space<vmem>> -> memref<1x26x64xf32, #tpu.memory_space<vmem>>
      %dma_wait3A_824 = tpu.memref_squeeze %dma_wait3A_823 : memref<1x26x64xf32, #tpu.memory_space<vmem>> -> memref<26x64xf32, #tpu.memory_space<vmem>>
      tpu.wait_dma2 semaphore(%arg10 : memref<!tpu.dma_semaphore, #tpu.memory_space<semaphore_mem>>) src(%dma_wait3A_824 : memref<26x64xf32, #tpu.memory_space<vmem>>) dst(%dma_wait3A_820 : memref<26x64xf32, #tpu.memory_space<hbm>>)
      %add3A_825 = arith.addi %mul3A_2, %mul3A_764 : i32
      %add3A_826 = arith.constant 3 : i32
      %add3A_827 = arith.addi %add3A_825, %add3A_826 : i32
      %dma_wait3A_828 = arith.constant 3 : i32
      %dma_wait3A_829 = arith.constant 0 : i32
      %dma_wait3A_830 = arith.constant 0 : i32
      %dma_wait3A_831 = tpu.memref_slice %arg6[%dma_wait3A_828, %dma_wait3A_829, %dma_wait3A_830] : memref<8x26x64xf32, #tpu.memory_space<vmem>> -> memref<1x26x64xf32, #tpu.memory_space<vmem>>
      %dma_wait3A_832 = tpu.memref_squeeze %dma_wait3A_831 : memref<1x26x64xf32, #tpu.memory_space<vmem>> -> memref<26x64xf32, #tpu.memory_space<vmem>>
      %dma_wait3A_833 = arith.constant 0 : i32
      %dma_wait3A_834 = arith.constant 0 : i32
      %dma_wait3A_835 = tpu.memref_slice %arg4[%add3A_827, %dma_wait3A_833, %dma_wait3A_834] : memref<16384x26x64xf32, #tpu.memory_space<hbm>> -> memref<1x26x64xf32, #tpu.memory_space<hbm>>
      %dma_wait3A_836 = tpu.memref_squeeze %dma_wait3A_835 : memref<1x26x64xf32, #tpu.memory_space<hbm>> -> memref<26x64xf32, #tpu.memory_space<hbm>>
      %dma_wait3A_837 = arith.constant 0 : i32
      %dma_wait3A_838 = arith.constant 0 : i32
      %dma_wait3A_839 = tpu.memref_slice %arg4[%add3A_827, %dma_wait3A_837, %dma_wait3A_838] : memref<16384x26x64xf32, #tpu.memory_space<hbm>> -> memref<1x26x64xf32, #tpu.memory_space<hbm>>
      %dma_wait3A_840 = tpu.memref_squeeze %dma_wait3A_839 : memref<1x26x64xf32, #tpu.memory_space<hbm>> -> memref<26x64xf32, #tpu.memory_space<hbm>>
      %dma_wait3A_841 = arith.constant 0 : i32
      %dma_wait3A_842 = arith.constant 0 : i32
      %dma_wait3A_843 = tpu.memref_slice %arg6[%dma_wait3A_828, %dma_wait3A_841, %dma_wait3A_842] : memref<8x26x64xf32, #tpu.memory_space<vmem>> -> memref<1x26x64xf32, #tpu.memory_space<vmem>>
      %dma_wait3A_844 = tpu.memref_squeeze %dma_wait3A_843 : memref<1x26x64xf32, #tpu.memory_space<vmem>> -> memref<26x64xf32, #tpu.memory_space<vmem>>
      tpu.wait_dma2 semaphore(%arg10 : memref<!tpu.dma_semaphore, #tpu.memory_space<semaphore_mem>>) src(%dma_wait3A_844 : memref<26x64xf32, #tpu.memory_space<vmem>>) dst(%dma_wait3A_840 : memref<26x64xf32, #tpu.memory_space<hbm>>)
      %add3A_845 = arith.addi %mul3A_2, %mul3A_764 : i32
      %add3A_846 = arith.constant 4 : i32
      %add3A_847 = arith.addi %add3A_845, %add3A_846 : i32
      %dma_wait3A_848 = arith.constant 4 : i32
      %dma_wait3A_849 = arith.constant 0 : i32
      %dma_wait3A_850 = arith.constant 0 : i32
      %dma_wait3A_851 = tpu.memref_slice %arg6[%dma_wait3A_848, %dma_wait3A_849, %dma_wait3A_850] : memref<8x26x64xf32, #tpu.memory_space<vmem>> -> memref<1x26x64xf32, #tpu.memory_space<vmem>>
      %dma_wait3A_852 = tpu.memref_squeeze %dma_wait3A_851 : memref<1x26x64xf32, #tpu.memory_space<vmem>> -> memref<26x64xf32, #tpu.memory_space<vmem>>
      %dma_wait3A_853 = arith.constant 0 : i32
      %dma_wait3A_854 = arith.constant 0 : i32
      %dma_wait3A_855 = tpu.memref_slice %arg4[%add3A_847, %dma_wait3A_853, %dma_wait3A_854] : memref<16384x26x64xf32, #tpu.memory_space<hbm>> -> memref<1x26x64xf32, #tpu.memory_space<hbm>>
      %dma_wait3A_856 = tpu.memref_squeeze %dma_wait3A_855 : memref<1x26x64xf32, #tpu.memory_space<hbm>> -> memref<26x64xf32, #tpu.memory_space<hbm>>
      %dma_wait3A_857 = arith.constant 0 : i32
      %dma_wait3A_858 = arith.constant 0 : i32
      %dma_wait3A_859 = tpu.memref_slice %arg4[%add3A_847, %dma_wait3A_857, %dma_wait3A_858] : memref<16384x26x64xf32, #tpu.memory_space<hbm>> -> memref<1x26x64xf32, #tpu.memory_space<hbm>>
      %dma_wait3A_860 = tpu.memref_squeeze %dma_wait3A_859 : memref<1x26x64xf32, #tpu.memory_space<hbm>> -> memref<26x64xf32, #tpu.memory_space<hbm>>
      %dma_wait3A_861 = arith.constant 0 : i32
      %dma_wait3A_862 = arith.constant 0 : i32
      %dma_wait3A_863 = tpu.memref_slice %arg6[%dma_wait3A_848, %dma_wait3A_861, %dma_wait3A_862] : memref<8x26x64xf32, #tpu.memory_space<vmem>> -> memref<1x26x64xf32, #tpu.memory_space<vmem>>
      %dma_wait3A_864 = tpu.memref_squeeze %dma_wait3A_863 : memref<1x26x64xf32, #tpu.memory_space<vmem>> -> memref<26x64xf32, #tpu.memory_space<vmem>>
      tpu.wait_dma2 semaphore(%arg10 : memref<!tpu.dma_semaphore, #tpu.memory_space<semaphore_mem>>) src(%dma_wait3A_864 : memref<26x64xf32, #tpu.memory_space<vmem>>) dst(%dma_wait3A_860 : memref<26x64xf32, #tpu.memory_space<hbm>>)
      %add3A_865 = arith.addi %mul3A_2, %mul3A_764 : i32
      %add3A_866 = arith.constant 5 : i32
      %add3A_867 = arith.addi %add3A_865, %add3A_866 : i32
      %dma_wait3A_868 = arith.constant 5 : i32
      %dma_wait3A_869 = arith.constant 0 : i32
      %dma_wait3A_870 = arith.constant 0 : i32
      %dma_wait3A_871 = tpu.memref_slice %arg6[%dma_wait3A_868, %dma_wait3A_869, %dma_wait3A_870] : memref<8x26x64xf32, #tpu.memory_space<vmem>> -> memref<1x26x64xf32, #tpu.memory_space<vmem>>
      %dma_wait3A_872 = tpu.memref_squeeze %dma_wait3A_871 : memref<1x26x64xf32, #tpu.memory_space<vmem>> -> memref<26x64xf32, #tpu.memory_space<vmem>>
      %dma_wait3A_873 = arith.constant 0 : i32
      %dma_wait3A_874 = arith.constant 0 : i32
      %dma_wait3A_875 = tpu.memref_slice %arg4[%add3A_867, %dma_wait3A_873, %dma_wait3A_874] : memref<16384x26x64xf32, #tpu.memory_space<hbm>> -> memref<1x26x64xf32, #tpu.memory_space<hbm>>
      %dma_wait3A_876 = tpu.memref_squeeze %dma_wait3A_875 : memref<1x26x64xf32, #tpu.memory_space<hbm>> -> memref<26x64xf32, #tpu.memory_space<hbm>>
      %dma_wait3A_877 = arith.constant 0 : i32
      %dma_wait3A_878 = arith.constant 0 : i32
      %dma_wait3A_879 = tpu.memref_slice %arg4[%add3A_867, %dma_wait3A_877, %dma_wait3A_878] : memref<16384x26x64xf32, #tpu.memory_space<hbm>> -> memref<1x26x64xf32, #tpu.memory_space<hbm>>
      %dma_wait3A_880 = tpu.memref_squeeze %dma_wait3A_879 : memref<1x26x64xf32, #tpu.memory_space<hbm>> -> memref<26x64xf32, #tpu.memory_space<hbm>>
      %dma_wait3A_881 = arith.constant 0 : i32
      %dma_wait3A_882 = arith.constant 0 : i32
      %dma_wait3A_883 = tpu.memref_slice %arg6[%dma_wait3A_868, %dma_wait3A_881, %dma_wait3A_882] : memref<8x26x64xf32, #tpu.memory_space<vmem>> -> memref<1x26x64xf32, #tpu.memory_space<vmem>>
      %dma_wait3A_884 = tpu.memref_squeeze %dma_wait3A_883 : memref<1x26x64xf32, #tpu.memory_space<vmem>> -> memref<26x64xf32, #tpu.memory_space<vmem>>
      tpu.wait_dma2 semaphore(%arg10 : memref<!tpu.dma_semaphore, #tpu.memory_space<semaphore_mem>>) src(%dma_wait3A_884 : memref<26x64xf32, #tpu.memory_space<vmem>>) dst(%dma_wait3A_880 : memref<26x64xf32, #tpu.memory_space<hbm>>)
      %add3A_885 = arith.addi %mul3A_2, %mul3A_764 : i32
      %add3A_886 = arith.constant 6 : i32
      %add3A_887 = arith.addi %add3A_885, %add3A_886 : i32
      %dma_wait3A_888 = arith.constant 6 : i32
      %dma_wait3A_889 = arith.constant 0 : i32
      %dma_wait3A_890 = arith.constant 0 : i32
      %dma_wait3A_891 = tpu.memref_slice %arg6[%dma_wait3A_888, %dma_wait3A_889, %dma_wait3A_890] : memref<8x26x64xf32, #tpu.memory_space<vmem>> -> memref<1x26x64xf32, #tpu.memory_space<vmem>>
      %dma_wait3A_892 = tpu.memref_squeeze %dma_wait3A_891 : memref<1x26x64xf32, #tpu.memory_space<vmem>> -> memref<26x64xf32, #tpu.memory_space<vmem>>
      %dma_wait3A_893 = arith.constant 0 : i32
      %dma_wait3A_894 = arith.constant 0 : i32
      %dma_wait3A_895 = tpu.memref_slice %arg4[%add3A_887, %dma_wait3A_893, %dma_wait3A_894] : memref<16384x26x64xf32, #tpu.memory_space<hbm>> -> memref<1x26x64xf32, #tpu.memory_space<hbm>>
      %dma_wait3A_896 = tpu.memref_squeeze %dma_wait3A_895 : memref<1x26x64xf32, #tpu.memory_space<hbm>> -> memref<26x64xf32, #tpu.memory_space<hbm>>
      %dma_wait3A_897 = arith.constant 0 : i32
      %dma_wait3A_898 = arith.constant 0 : i32
      %dma_wait3A_899 = tpu.memref_slice %arg4[%add3A_887, %dma_wait3A_897, %dma_wait3A_898] : memref<16384x26x64xf32, #tpu.memory_space<hbm>> -> memref<1x26x64xf32, #tpu.memory_space<hbm>>
      %dma_wait3A_900 = tpu.memref_squeeze %dma_wait3A_899 : memref<1x26x64xf32, #tpu.memory_space<hbm>> -> memref<26x64xf32, #tpu.memory_space<hbm>>
      %dma_wait3A_901 = arith.constant 0 : i32
      %dma_wait3A_902 = arith.constant 0 : i32
      %dma_wait3A_903 = tpu.memref_slice %arg6[%dma_wait3A_888, %dma_wait3A_901, %dma_wait3A_902] : memref<8x26x64xf32, #tpu.memory_space<vmem>> -> memref<1x26x64xf32, #tpu.memory_space<vmem>>
      %dma_wait3A_904 = tpu.memref_squeeze %dma_wait3A_903 : memref<1x26x64xf32, #tpu.memory_space<vmem>> -> memref<26x64xf32, #tpu.memory_space<vmem>>
      tpu.wait_dma2 semaphore(%arg10 : memref<!tpu.dma_semaphore, #tpu.memory_space<semaphore_mem>>) src(%dma_wait3A_904 : memref<26x64xf32, #tpu.memory_space<vmem>>) dst(%dma_wait3A_900 : memref<26x64xf32, #tpu.memory_space<hbm>>)
      %add3A_905 = arith.addi %mul3A_2, %mul3A_764 : i32
      %add3A_906 = arith.constant 7 : i32
      %add3A_907 = arith.addi %add3A_905, %add3A_906 : i32
      %dma_wait3A_908 = arith.constant 7 : i32
      %dma_wait3A_909 = arith.constant 0 : i32
      %dma_wait3A_910 = arith.constant 0 : i32
      %dma_wait3A_911 = tpu.memref_slice %arg6[%dma_wait3A_908, %dma_wait3A_909, %dma_wait3A_910] : memref<8x26x64xf32, #tpu.memory_space<vmem>> -> memref<1x26x64xf32, #tpu.memory_space<vmem>>
      %dma_wait3A_912 = tpu.memref_squeeze %dma_wait3A_911 : memref<1x26x64xf32, #tpu.memory_space<vmem>> -> memref<26x64xf32, #tpu.memory_space<vmem>>
      %dma_wait3A_913 = arith.constant 0 : i32
      %dma_wait3A_914 = arith.constant 0 : i32
      %dma_wait3A_915 = tpu.memref_slice %arg4[%add3A_907, %dma_wait3A_913, %dma_wait3A_914] : memref<16384x26x64xf32, #tpu.memory_space<hbm>> -> memref<1x26x64xf32, #tpu.memory_space<hbm>>
      %dma_wait3A_916 = tpu.memref_squeeze %dma_wait3A_915 : memref<1x26x64xf32, #tpu.memory_space<hbm>> -> memref<26x64xf32, #tpu.memory_space<hbm>>
      %dma_wait3A_917 = arith.constant 0 : i32
      %dma_wait3A_918 = arith.constant 0 : i32
      %dma_wait3A_919 = tpu.memref_slice %arg4[%add3A_907, %dma_wait3A_917, %dma_wait3A_918] : memref<16384x26x64xf32, #tpu.memory_space<hbm>> -> memref<1x26x64xf32, #tpu.memory_space<hbm>>
      %dma_wait3A_920 = tpu.memref_squeeze %dma_wait3A_919 : memref<1x26x64xf32, #tpu.memory_space<hbm>> -> memref<26x64xf32, #tpu.memory_space<hbm>>
      %dma_wait3A_921 = arith.constant 0 : i32
      %dma_wait3A_922 = arith.constant 0 : i32
      %dma_wait3A_923 = tpu.memref_slice %arg6[%dma_wait3A_908, %dma_wait3A_921, %dma_wait3A_922] : memref<8x26x64xf32, #tpu.memory_space<vmem>> -> memref<1x26x64xf32, #tpu.memory_space<vmem>>
      %dma_wait3A_924 = tpu.memref_squeeze %dma_wait3A_923 : memref<1x26x64xf32, #tpu.memory_space<vmem>> -> memref<26x64xf32, #tpu.memory_space<vmem>>
      tpu.wait_dma2 semaphore(%arg10 : memref<!tpu.dma_semaphore, #tpu.memory_space<semaphore_mem>>) src(%dma_wait3A_924 : memref<26x64xf32, #tpu.memory_space<vmem>>) dst(%dma_wait3A_920 : memref<26x64xf32, #tpu.memory_space<hbm>>)
      %add3A_925 = arith.constant 1 : i32
      %add3A_926 = arith.addi %mul3A_10, %add3A_925 : i32
      %mul3A_927 = arith.constant 8 : i32
      %mul3A_928 = arith.muli %add3A_926, %mul3A_927 : i32
      %add3A_929 = arith.addi %mul3A_2, %mul3A_928 : i32
      %add3A_930 = arith.constant 0 : i32
      %add3A_931 = arith.addi %add3A_929, %add3A_930 : i32
      %dma_wait3A_932 = arith.constant 0 : i32
      %dma_wait3A_933 = arith.constant 0 : i32
      %dma_wait3A_934 = arith.constant 0 : i32
      %dma_wait3A_935 = tpu.memref_slice %arg7[%dma_wait3A_932, %dma_wait3A_933, %dma_wait3A_934] : memref<8x26x64xf32, #tpu.memory_space<vmem>> -> memref<1x26x64xf32, #tpu.memory_space<vmem>>
      %dma_wait3A_936 = tpu.memref_squeeze %dma_wait3A_935 : memref<1x26x64xf32, #tpu.memory_space<vmem>> -> memref<26x64xf32, #tpu.memory_space<vmem>>
      %dma_wait3A_937 = arith.constant 0 : i32
      %dma_wait3A_938 = arith.constant 0 : i32
      %dma_wait3A_939 = tpu.memref_slice %arg4[%add3A_931, %dma_wait3A_937, %dma_wait3A_938] : memref<16384x26x64xf32, #tpu.memory_space<hbm>> -> memref<1x26x64xf32, #tpu.memory_space<hbm>>
      %dma_wait3A_940 = tpu.memref_squeeze %dma_wait3A_939 : memref<1x26x64xf32, #tpu.memory_space<hbm>> -> memref<26x64xf32, #tpu.memory_space<hbm>>
      %dma_wait3A_941 = arith.constant 0 : i32
      %dma_wait3A_942 = arith.constant 0 : i32
      %dma_wait3A_943 = tpu.memref_slice %arg4[%add3A_931, %dma_wait3A_941, %dma_wait3A_942] : memref<16384x26x64xf32, #tpu.memory_space<hbm>> -> memref<1x26x64xf32, #tpu.memory_space<hbm>>
      %dma_wait3A_944 = tpu.memref_squeeze %dma_wait3A_943 : memref<1x26x64xf32, #tpu.memory_space<hbm>> -> memref<26x64xf32, #tpu.memory_space<hbm>>
      %dma_wait3A_945 = arith.constant 0 : i32
      %dma_wait3A_946 = arith.constant 0 : i32
      %dma_wait3A_947 = tpu.memref_slice %arg7[%dma_wait3A_932, %dma_wait3A_945, %dma_wait3A_946] : memref<8x26x64xf32, #tpu.memory_space<vmem>> -> memref<1x26x64xf32, #tpu.memory_space<vmem>>
      %dma_wait3A_948 = tpu.memref_squeeze %dma_wait3A_947 : memref<1x26x64xf32, #tpu.memory_space<vmem>> -> memref<26x64xf32, #tpu.memory_space<vmem>>
      tpu.wait_dma2 semaphore(%arg11 : memref<!tpu.dma_semaphore, #tpu.memory_space<semaphore_mem>>) src(%dma_wait3A_948 : memref<26x64xf32, #tpu.memory_space<vmem>>) dst(%dma_wait3A_944 : memref<26x64xf32, #tpu.memory_space<hbm>>)
      %add3A_949 = arith.addi %mul3A_2, %mul3A_928 : i32
      %add3A_950 = arith.constant 1 : i32
      %add3A_951 = arith.addi %add3A_949, %add3A_950 : i32
      %dma_wait3A_952 = arith.constant 1 : i32
      %dma_wait3A_953 = arith.constant 0 : i32
      %dma_wait3A_954 = arith.constant 0 : i32
      %dma_wait3A_955 = tpu.memref_slice %arg7[%dma_wait3A_952, %dma_wait3A_953, %dma_wait3A_954] : memref<8x26x64xf32, #tpu.memory_space<vmem>> -> memref<1x26x64xf32, #tpu.memory_space<vmem>>
      %dma_wait3A_956 = tpu.memref_squeeze %dma_wait3A_955 : memref<1x26x64xf32, #tpu.memory_space<vmem>> -> memref<26x64xf32, #tpu.memory_space<vmem>>
      %dma_wait3A_957 = arith.constant 0 : i32
      %dma_wait3A_958 = arith.constant 0 : i32
      %dma_wait3A_959 = tpu.memref_slice %arg4[%add3A_951, %dma_wait3A_957, %dma_wait3A_958] : memref<16384x26x64xf32, #tpu.memory_space<hbm>> -> memref<1x26x64xf32, #tpu.memory_space<hbm>>
      %dma_wait3A_960 = tpu.memref_squeeze %dma_wait3A_959 : memref<1x26x64xf32, #tpu.memory_space<hbm>> -> memref<26x64xf32, #tpu.memory_space<hbm>>
      %dma_wait3A_961 = arith.constant 0 : i32
      %dma_wait3A_962 = arith.constant 0 : i32
      %dma_wait3A_963 = tpu.memref_slice %arg4[%add3A_951, %dma_wait3A_961, %dma_wait3A_962] : memref<16384x26x64xf32, #tpu.memory_space<hbm>> -> memref<1x26x64xf32, #tpu.memory_space<hbm>>
      %dma_wait3A_964 = tpu.memref_squeeze %dma_wait3A_963 : memref<1x26x64xf32, #tpu.memory_space<hbm>> -> memref<26x64xf32, #tpu.memory_space<hbm>>
      %dma_wait3A_965 = arith.constant 0 : i32
      %dma_wait3A_966 = arith.constant 0 : i32
      %dma_wait3A_967 = tpu.memref_slice %arg7[%dma_wait3A_952, %dma_wait3A_965, %dma_wait3A_966] : memref<8x26x64xf32, #tpu.memory_space<vmem>> -> memref<1x26x64xf32, #tpu.memory_space<vmem>>
      %dma_wait3A_968 = tpu.memref_squeeze %dma_wait3A_967 : memref<1x26x64xf32, #tpu.memory_space<vmem>> -> memref<26x64xf32, #tpu.memory_space<vmem>>
      tpu.wait_dma2 semaphore(%arg11 : memref<!tpu.dma_semaphore, #tpu.memory_space<semaphore_mem>>) src(%dma_wait3A_968 : memref<26x64xf32, #tpu.memory_space<vmem>>) dst(%dma_wait3A_964 : memref<26x64xf32, #tpu.memory_space<hbm>>)
      %add3A_969 = arith.addi %mul3A_2, %mul3A_928 : i32
      %add3A_970 = arith.constant 2 : i32
      %add3A_971 = arith.addi %add3A_969, %add3A_970 : i32
      %dma_wait3A_972 = arith.constant 2 : i32
      %dma_wait3A_973 = arith.constant 0 : i32
      %dma_wait3A_974 = arith.constant 0 : i32
      %dma_wait3A_975 = tpu.memref_slice %arg7[%dma_wait3A_972, %dma_wait3A_973, %dma_wait3A_974] : memref<8x26x64xf32, #tpu.memory_space<vmem>> -> memref<1x26x64xf32, #tpu.memory_space<vmem>>
      %dma_wait3A_976 = tpu.memref_squeeze %dma_wait3A_975 : memref<1x26x64xf32, #tpu.memory_space<vmem>> -> memref<26x64xf32, #tpu.memory_space<vmem>>
      %dma_wait3A_977 = arith.constant 0 : i32
      %dma_wait3A_978 = arith.constant 0 : i32
      %dma_wait3A_979 = tpu.memref_slice %arg4[%add3A_971, %dma_wait3A_977, %dma_wait3A_978] : memref<16384x26x64xf32, #tpu.memory_space<hbm>> -> memref<1x26x64xf32, #tpu.memory_space<hbm>>
      %dma_wait3A_980 = tpu.memref_squeeze %dma_wait3A_979 : memref<1x26x64xf32, #tpu.memory_space<hbm>> -> memref<26x64xf32, #tpu.memory_space<hbm>>
      %dma_wait3A_981 = arith.constant 0 : i32
      %dma_wait3A_982 = arith.constant 0 : i32
      %dma_wait3A_983 = tpu.memref_slice %arg4[%add3A_971, %dma_wait3A_981, %dma_wait3A_982] : memref<16384x26x64xf32, #tpu.memory_space<hbm>> -> memref<1x26x64xf32, #tpu.memory_space<hbm>>
      %dma_wait3A_984 = tpu.memref_squeeze %dma_wait3A_983 : memref<1x26x64xf32, #tpu.memory_space<hbm>> -> memref<26x64xf32, #tpu.memory_space<hbm>>
      %dma_wait3A_985 = arith.constant 0 : i32
      %dma_wait3A_986 = arith.constant 0 : i32
      %dma_wait3A_987 = tpu.memref_slice %arg7[%dma_wait3A_972, %dma_wait3A_985, %dma_wait3A_986] : memref<8x26x64xf32, #tpu.memory_space<vmem>> -> memref<1x26x64xf32, #tpu.memory_space<vmem>>
      %dma_wait3A_988 = tpu.memref_squeeze %dma_wait3A_987 : memref<1x26x64xf32, #tpu.memory_space<vmem>> -> memref<26x64xf32, #tpu.memory_space<vmem>>
      tpu.wait_dma2 semaphore(%arg11 : memref<!tpu.dma_semaphore, #tpu.memory_space<semaphore_mem>>) src(%dma_wait3A_988 : memref<26x64xf32, #tpu.memory_space<vmem>>) dst(%dma_wait3A_984 : memref<26x64xf32, #tpu.memory_space<hbm>>)
      %add3A_989 = arith.addi %mul3A_2, %mul3A_928 : i32
      %add3A_990 = arith.constant 3 : i32
      %add3A_991 = arith.addi %add3A_989, %add3A_990 : i32
      %dma_wait3A_992 = arith.constant 3 : i32
      %dma_wait3A_993 = arith.constant 0 : i32
      %dma_wait3A_994 = arith.constant 0 : i32
      %dma_wait3A_995 = tpu.memref_slice %arg7[%dma_wait3A_992, %dma_wait3A_993, %dma_wait3A_994] : memref<8x26x64xf32, #tpu.memory_space<vmem>> -> memref<1x26x64xf32, #tpu.memory_space<vmem>>
      %dma_wait3A_996 = tpu.memref_squeeze %dma_wait3A_995 : memref<1x26x64xf32, #tpu.memory_space<vmem>> -> memref<26x64xf32, #tpu.memory_space<vmem>>
      %dma_wait3A_997 = arith.constant 0 : i32
      %dma_wait3A_998 = arith.constant 0 : i32
      %dma_wait3A_999 = tpu.memref_slice %arg4[%add3A_991, %dma_wait3A_997, %dma_wait3A_998] : memref<16384x26x64xf32, #tpu.memory_space<hbm>> -> memref<1x26x64xf32, #tpu.memory_space<hbm>>
      %dma_wait3A_1000 = tpu.memref_squeeze %dma_wait3A_999 : memref<1x26x64xf32, #tpu.memory_space<hbm>> -> memref<26x64xf32, #tpu.memory_space<hbm>>
      %dma_wait3A_1001 = arith.constant 0 : i32
      %dma_wait3A_1002 = arith.constant 0 : i32
      %dma_wait3A_1003 = tpu.memref_slice %arg4[%add3A_991, %dma_wait3A_1001, %dma_wait3A_1002] : memref<16384x26x64xf32, #tpu.memory_space<hbm>> -> memref<1x26x64xf32, #tpu.memory_space<hbm>>
      %dma_wait3A_1004 = tpu.memref_squeeze %dma_wait3A_1003 : memref<1x26x64xf32, #tpu.memory_space<hbm>> -> memref<26x64xf32, #tpu.memory_space<hbm>>
      %dma_wait3A_1005 = arith.constant 0 : i32
      %dma_wait3A_1006 = arith.constant 0 : i32
      %dma_wait3A_1007 = tpu.memref_slice %arg7[%dma_wait3A_992, %dma_wait3A_1005, %dma_wait3A_1006] : memref<8x26x64xf32, #tpu.memory_space<vmem>> -> memref<1x26x64xf32, #tpu.memory_space<vmem>>
      %dma_wait3A_1008 = tpu.memref_squeeze %dma_wait3A_1007 : memref<1x26x64xf32, #tpu.memory_space<vmem>> -> memref<26x64xf32, #tpu.memory_space<vmem>>
      tpu.wait_dma2 semaphore(%arg11 : memref<!tpu.dma_semaphore, #tpu.memory_space<semaphore_mem>>) src(%dma_wait3A_1008 : memref<26x64xf32, #tpu.memory_space<vmem>>) dst(%dma_wait3A_1004 : memref<26x64xf32, #tpu.memory_space<hbm>>)
      %add3A_1009 = arith.addi %mul3A_2, %mul3A_928 : i32
      %add3A_1010 = arith.constant 4 : i32
      %add3A_1011 = arith.addi %add3A_1009, %add3A_1010 : i32
      %dma_wait3A_1012 = arith.constant 4 : i32
      %dma_wait3A_1013 = arith.constant 0 : i32
      %dma_wait3A_1014 = arith.constant 0 : i32
      %dma_wait3A_1015 = tpu.memref_slice %arg7[%dma_wait3A_1012, %dma_wait3A_1013, %dma_wait3A_1014] : memref<8x26x64xf32, #tpu.memory_space<vmem>> -> memref<1x26x64xf32, #tpu.memory_space<vmem>>
      %dma_wait3A_1016 = tpu.memref_squeeze %dma_wait3A_1015 : memref<1x26x64xf32, #tpu.memory_space<vmem>> -> memref<26x64xf32, #tpu.memory_space<vmem>>
      %dma_wait3A_1017 = arith.constant 0 : i32
      %dma_wait3A_1018 = arith.constant 0 : i32
      %dma_wait3A_1019 = tpu.memref_slice %arg4[%add3A_1011, %dma_wait3A_1017, %dma_wait3A_1018] : memref<16384x26x64xf32, #tpu.memory_space<hbm>> -> memref<1x26x64xf32, #tpu.memory_space<hbm>>
      %dma_wait3A_1020 = tpu.memref_squeeze %dma_wait3A_1019 : memref<1x26x64xf32, #tpu.memory_space<hbm>> -> memref<26x64xf32, #tpu.memory_space<hbm>>
      %dma_wait3A_1021 = arith.constant 0 : i32
      %dma_wait3A_1022 = arith.constant 0 : i32
      %dma_wait3A_1023 = tpu.memref_slice %arg4[%add3A_1011, %dma_wait3A_1021, %dma_wait3A_1022] : memref<16384x26x64xf32, #tpu.memory_space<hbm>> -> memref<1x26x64xf32, #tpu.memory_space<hbm>>
      %dma_wait3A_1024 = tpu.memref_squeeze %dma_wait3A_1023 : memref<1x26x64xf32, #tpu.memory_space<hbm>> -> memref<26x64xf32, #tpu.memory_space<hbm>>
      %dma_wait3A_1025 = arith.constant 0 : i32
      %dma_wait3A_1026 = arith.constant 0 : i32
      %dma_wait3A_1027 = tpu.memref_slice %arg7[%dma_wait3A_1012, %dma_wait3A_1025, %dma_wait3A_1026] : memref<8x26x64xf32, #tpu.memory_space<vmem>> -> memref<1x26x64xf32, #tpu.memory_space<vmem>>
      %dma_wait3A_1028 = tpu.memref_squeeze %dma_wait3A_1027 : memref<1x26x64xf32, #tpu.memory_space<vmem>> -> memref<26x64xf32, #tpu.memory_space<vmem>>
      tpu.wait_dma2 semaphore(%arg11 : memref<!tpu.dma_semaphore, #tpu.memory_space<semaphore_mem>>) src(%dma_wait3A_1028 : memref<26x64xf32, #tpu.memory_space<vmem>>) dst(%dma_wait3A_1024 : memref<26x64xf32, #tpu.memory_space<hbm>>)
      %add3A_1029 = arith.addi %mul3A_2, %mul3A_928 : i32
      %add3A_1030 = arith.constant 5 : i32
      %add3A_1031 = arith.addi %add3A_1029, %add3A_1030 : i32
      %dma_wait3A_1032 = arith.constant 5 : i32
      %dma_wait3A_1033 = arith.constant 0 : i32
      %dma_wait3A_1034 = arith.constant 0 : i32
      %dma_wait3A_1035 = tpu.memref_slice %arg7[%dma_wait3A_1032, %dma_wait3A_1033, %dma_wait3A_1034] : memref<8x26x64xf32, #tpu.memory_space<vmem>> -> memref<1x26x64xf32, #tpu.memory_space<vmem>>
      %dma_wait3A_1036 = tpu.memref_squeeze %dma_wait3A_1035 : memref<1x26x64xf32, #tpu.memory_space<vmem>> -> memref<26x64xf32, #tpu.memory_space<vmem>>
      %dma_wait3A_1037 = arith.constant 0 : i32
      %dma_wait3A_1038 = arith.constant 0 : i32
      %dma_wait3A_1039 = tpu.memref_slice %arg4[%add3A_1031, %dma_wait3A_1037, %dma_wait3A_1038] : memref<16384x26x64xf32, #tpu.memory_space<hbm>> -> memref<1x26x64xf32, #tpu.memory_space<hbm>>
      %dma_wait3A_1040 = tpu.memref_squeeze %dma_wait3A_1039 : memref<1x26x64xf32, #tpu.memory_space<hbm>> -> memref<26x64xf32, #tpu.memory_space<hbm>>
      %dma_wait3A_1041 = arith.constant 0 : i32
      %dma_wait3A_1042 = arith.constant 0 : i32
      %dma_wait3A_1043 = tpu.memref_slice %arg4[%add3A_1031, %dma_wait3A_1041, %dma_wait3A_1042] : memref<16384x26x64xf32, #tpu.memory_space<hbm>> -> memref<1x26x64xf32, #tpu.memory_space<hbm>>
      %dma_wait3A_1044 = tpu.memref_squeeze %dma_wait3A_1043 : memref<1x26x64xf32, #tpu.memory_space<hbm>> -> memref<26x64xf32, #tpu.memory_space<hbm>>
      %dma_wait3A_1045 = arith.constant 0 : i32
      %dma_wait3A_1046 = arith.constant 0 : i32
      %dma_wait3A_1047 = tpu.memref_slice %arg7[%dma_wait3A_1032, %dma_wait3A_1045, %dma_wait3A_1046] : memref<8x26x64xf32, #tpu.memory_space<vmem>> -> memref<1x26x64xf32, #tpu.memory_space<vmem>>
      %dma_wait3A_1048 = tpu.memref_squeeze %dma_wait3A_1047 : memref<1x26x64xf32, #tpu.memory_space<vmem>> -> memref<26x64xf32, #tpu.memory_space<vmem>>
      tpu.wait_dma2 semaphore(%arg11 : memref<!tpu.dma_semaphore, #tpu.memory_space<semaphore_mem>>) src(%dma_wait3A_1048 : memref<26x64xf32, #tpu.memory_space<vmem>>) dst(%dma_wait3A_1044 : memref<26x64xf32, #tpu.memory_space<hbm>>)
      %add3A_1049 = arith.addi %mul3A_2, %mul3A_928 : i32
      %add3A_1050 = arith.constant 6 : i32
      %add3A_1051 = arith.addi %add3A_1049, %add3A_1050 : i32
      %dma_wait3A_1052 = arith.constant 6 : i32
      %dma_wait3A_1053 = arith.constant 0 : i32
      %dma_wait3A_1054 = arith.constant 0 : i32
      %dma_wait3A_1055 = tpu.memref_slice %arg7[%dma_wait3A_1052, %dma_wait3A_1053, %dma_wait3A_1054] : memref<8x26x64xf32, #tpu.memory_space<vmem>> -> memref<1x26x64xf32, #tpu.memory_space<vmem>>
      %dma_wait3A_1056 = tpu.memref_squeeze %dma_wait3A_1055 : memref<1x26x64xf32, #tpu.memory_space<vmem>> -> memref<26x64xf32, #tpu.memory_space<vmem>>
      %dma_wait3A_1057 = arith.constant 0 : i32
      %dma_wait3A_1058 = arith.constant 0 : i32
      %dma_wait3A_1059 = tpu.memref_slice %arg4[%add3A_1051, %dma_wait3A_1057, %dma_wait3A_1058] : memref<16384x26x64xf32, #tpu.memory_space<hbm>> -> memref<1x26x64xf32, #tpu.memory_space<hbm>>
      %dma_wait3A_1060 = tpu.memref_squeeze %dma_wait3A_1059 : memref<1x26x64xf32, #tpu.memory_space<hbm>> -> memref<26x64xf32, #tpu.memory_space<hbm>>
      %dma_wait3A_1061 = arith.constant 0 : i32
      %dma_wait3A_1062 = arith.constant 0 : i32
      %dma_wait3A_1063 = tpu.memref_slice %arg4[%add3A_1051, %dma_wait3A_1061, %dma_wait3A_1062] : memref<16384x26x64xf32, #tpu.memory_space<hbm>> -> memref<1x26x64xf32, #tpu.memory_space<hbm>>
      %dma_wait3A_1064 = tpu.memref_squeeze %dma_wait3A_1063 : memref<1x26x64xf32, #tpu.memory_space<hbm>> -> memref<26x64xf32, #tpu.memory_space<hbm>>
      %dma_wait3A_1065 = arith.constant 0 : i32
      %dma_wait3A_1066 = arith.constant 0 : i32
      %dma_wait3A_1067 = tpu.memref_slice %arg7[%dma_wait3A_1052, %dma_wait3A_1065, %dma_wait3A_1066] : memref<8x26x64xf32, #tpu.memory_space<vmem>> -> memref<1x26x64xf32, #tpu.memory_space<vmem>>
      %dma_wait3A_1068 = tpu.memref_squeeze %dma_wait3A_1067 : memref<1x26x64xf32, #tpu.memory_space<vmem>> -> memref<26x64xf32, #tpu.memory_space<vmem>>
      tpu.wait_dma2 semaphore(%arg11 : memref<!tpu.dma_semaphore, #tpu.memory_space<semaphore_mem>>) src(%dma_wait3A_1068 : memref<26x64xf32, #tpu.memory_space<vmem>>) dst(%dma_wait3A_1064 : memref<26x64xf32, #tpu.memory_space<hbm>>)
      %add3A_1069 = arith.addi %mul3A_2, %mul3A_928 : i32
      %add3A_1070 = arith.constant 7 : i32
      %add3A_1071 = arith.addi %add3A_1069, %add3A_1070 : i32
      %dma_wait3A_1072 = arith.constant 7 : i32
      %dma_wait3A_1073 = arith.constant 0 : i32
      %dma_wait3A_1074 = arith.constant 0 : i32
      %dma_wait3A_1075 = tpu.memref_slice %arg7[%dma_wait3A_1072, %dma_wait3A_1073, %dma_wait3A_1074] : memref<8x26x64xf32, #tpu.memory_space<vmem>> -> memref<1x26x64xf32, #tpu.memory_space<vmem>>
      %dma_wait3A_1076 = tpu.memref_squeeze %dma_wait3A_1075 : memref<1x26x64xf32, #tpu.memory_space<vmem>> -> memref<26x64xf32, #tpu.memory_space<vmem>>
      %dma_wait3A_1077 = arith.constant 0 : i32
      %dma_wait3A_1078 = arith.constant 0 : i32
      %dma_wait3A_1079 = tpu.memref_slice %arg4[%add3A_1071, %dma_wait3A_1077, %dma_wait3A_1078] : memref<16384x26x64xf32, #tpu.memory_space<hbm>> -> memref<1x26x64xf32, #tpu.memory_space<hbm>>
      %dma_wait3A_1080 = tpu.memref_squeeze %dma_wait3A_1079 : memref<1x26x64xf32, #tpu.memory_space<hbm>> -> memref<26x64xf32, #tpu.memory_space<hbm>>
      %dma_wait3A_1081 = arith.constant 0 : i32
      %dma_wait3A_1082 = arith.constant 0 : i32
      %dma_wait3A_1083 = tpu.memref_slice %arg4[%add3A_1071, %dma_wait3A_1081, %dma_wait3A_1082] : memref<16384x26x64xf32, #tpu.memory_space<hbm>> -> memref<1x26x64xf32, #tpu.memory_space<hbm>>
      %dma_wait3A_1084 = tpu.memref_squeeze %dma_wait3A_1083 : memref<1x26x64xf32, #tpu.memory_space<hbm>> -> memref<26x64xf32, #tpu.memory_space<hbm>>
      %dma_wait3A_1085 = arith.constant 0 : i32
      %dma_wait3A_1086 = arith.constant 0 : i32
      %dma_wait3A_1087 = tpu.memref_slice %arg7[%dma_wait3A_1072, %dma_wait3A_1085, %dma_wait3A_1086] : memref<8x26x64xf32, #tpu.memory_space<vmem>> -> memref<1x26x64xf32, #tpu.memory_space<vmem>>
      %dma_wait3A_1088 = tpu.memref_squeeze %dma_wait3A_1087 : memref<1x26x64xf32, #tpu.memory_space<vmem>> -> memref<26x64xf32, #tpu.memory_space<vmem>>
      tpu.wait_dma2 semaphore(%arg11 : memref<!tpu.dma_semaphore, #tpu.memory_space<semaphore_mem>>) src(%dma_wait3A_1088 : memref<26x64xf32, #tpu.memory_space<vmem>>) dst(%dma_wait3A_1084 : memref<26x64xf32, #tpu.memory_space<hbm>>)
    }
    %scan3A_7 = arith.constant 32 : i32
    return
  }
}

module attributes {stable_mosaic.version = 14 : i64} {
  func.func @_fmt_kernel(%arg0: i32, %arg1: memref<64x16384xf32, #tpu.memory_space<vmem>>, %arg2: memref<8192x128xf32, #tpu.memory_space<vmem>>, %arg3: memref<16384x64xf32, #tpu.memory_space<vmem>>) attributes {dimension_semantics = [#tpu.dimension_semantics<arbitrary>], iteration_bounds = array<i64: 62>, scalar_prefetch = 0 : i64, scratch_operands = 1 : i64, tpu.core_type = #tpu.core_type<tc>, window_params = [{transform_indices = @transform_0, window_bounds = array<i64: 64, 16384>}, {transform_indices = @transform_1, window_bounds = array<i64: 8192, 128>}]} {
    %get3A = arith.constant 0 : index
    %get3A_0 = arith.constant 0 : index
    %get3A_1 = vector.load %arg1[%get3A, %get3A_0] : memref<64x16384xf32, #tpu.memory_space<vmem>>, vector<64x16384xf32>
    %iota3A = tpu.iota {dimensions = array<i32: 0>} : vector<64x64xi32>
    %iota3A_2 = tpu.iota {dimensions = array<i32: 1>} : vector<64x64xi32>
    %eq3A = arith.cmpi eq, %iota3A, %iota3A_2 : vector<64x64xi32>
    %convert_element_type3A = arith.extui %eq3A : vector<64x64xi1> to vector<64x64xi32>
    %convert_element_type3A_3 = arith.sitofp %convert_element_type3A : vector<64x64xi32> to vector<64x64xf32>
    %dot_general3A = arith.constant dense<0.000000e+00> : vector<16384x64xf32>
    %dot_general3A_4 = tpu.matmul %get3A_1, %convert_element_type3A_3, %dot_general3A {dimension_numbers = #tpu.dot_dimension_numbers<[0], [0], [1], [1], [0, 1, 1, 1], [], []>, transpose_lhs_hint = false} : vector<64x16384xf32>, vector<64x64xf32>, vector<16384x64xf32> -> vector<16384x64xf32>
    %swap3A = arith.constant 0 : index
    %swap3A_5 = arith.constant 0 : index
    %swap3A_6 = vector.load %arg3[%swap3A, %swap3A_5] : memref<16384x64xf32, #tpu.memory_space<vmem>>, vector<16384x64xf32>
    tpu.vector_store %arg3[%swap3A, %swap3A_5], %dot_general3A_4 {strides = array<i32>} : memref<16384x64xf32, #tpu.memory_space<vmem>>, vector<16384x64xf32>,
    %get3A_7 = arith.constant 0 : index
    %get3A_8 = arith.constant 0 : index
    %get3A_9 = tpu.strided_load %arg3[%get3A_7, %get3A_8] {strides = array<i32: 2, 1>} : memref<16384x64xf32, #tpu.memory_space<vmem>>, vector<8192x64xf32>
    %swap3A_10 = arith.constant 0 : index
    %swap3A_11 = arith.constant 0 : index
    %swap3A_12 = vector.load %arg2[%swap3A_10, %swap3A_11] : memref<8192x128xf32, #tpu.memory_space<vmem>>, vector<8192x64xf32>
    tpu.vector_store %arg2[%swap3A_10, %swap3A_11], %get3A_9 {strides = array<i32>} : memref<8192x128xf32, #tpu.memory_space<vmem>>, vector<8192x64xf32>,
    %get3A_13 = arith.constant 1 : index
    %get3A_14 = arith.constant 0 : index
    %get3A_15 = tpu.strided_load %arg3[%get3A_13, %get3A_14] {strides = array<i32: 2, 1>} : memref<16384x64xf32, #tpu.memory_space<vmem>>, vector<8192x64xf32>
    %swap3A_16 = arith.constant 0 : index
    %swap3A_17 = arith.constant 64 : index
    %swap3A_18 = vector.load %arg2[%swap3A_16, %swap3A_17] : memref<8192x128xf32, #tpu.memory_space<vmem>>, vector<8192x64xf32>
    tpu.vector_store %arg2[%swap3A_16, %swap3A_17], %get3A_15 {strides = array<i32>} : memref<8192x128xf32, #tpu.memory_space<vmem>>, vector<8192x64xf32>,
    return
  }
  func.func @transform_0(%arg0: i32) -> (i32, i32) {
    %c0_i32 = arith.constant 0 : i32
    %c0_i32_0 = arith.constant 0 : i32
    return %c0_i32, %arg0 : i32, i32
  }
  func.func @transform_1(%arg0: i32) -> (i32, i32) {
    %c0_i32 = arith.constant 0 : i32
    %c0_i32_0 = arith.constant 0 : i32
    return %arg0, %c0_i32 : i32, i32
  }
}

</mosaic_0001>

<sc_bundles>
// kernel: kernel.4.cloned.1.call-start
scs
__scs_entry_jumppad:
0x0: {  	(pc) =	sbr.rel $0x88, $3  }
0x1: {  	(tag) =	ssettag $0x0;
	lr =	simm.s32 $0x1  }
0x2: {  	[smem:$0x3F9F] =	sst lr;
	_ =	strace $0xD0000000  }
0x3: {  	_ = 	snop  }
0x4: {  	_ = 	snop  }
0x5: {  	_ = 	snop  }
0x6: {  	_ = 	snop  }
0x7: {  	_ = 	snop  }
__scs_overlays_trampoline_lowered:
0x8: {  	[smem:$0x3FAE] =	sst s0  }
0x9: {  	[smem:$0x3FAF] =	sst s1  }
0xa: {  	[smem:$0x3FB0] =	sst s2  }
0xb: {  	[smem:$0x3FB1] =	sst s3  }
0xc: {  	[smem:$0x3FB2] =	sst s4  }
0xd: {  	[smem:$0x3FB3] =	sst s5  }
0xe: {  	[smem:$0x3FB4] =	sst s6  }
0xf: {  	[smem:$0x3FB5] =	sst s7  }
0x10: {  	[smem:$0x3FB6] =	sst s8  }
0x11: {  	[smem:$0x3FB7] =	sst s9;
	s0 =	simm.s32 @!p0 $0x0  }
0x12: {  	s1 =	sld [smem:$0x3F9D];
	s0 =	simm.s32 @p0 $0x1  }
0x13: {  	[smem:$0x3FB8] =	sst s0;
	s0 =	simm.s32 @!p1 $0x0  }
0x14: {  	s2 =	sld [smem:$0x3F9C];
	s0 =	simm.s32 @p1 $0x1  }
0x15: {  	[smem:$0x3FB9] =	sst s0;
	s0 =	simm.s32 @!p2 $0x0  }
0x16: {  	s3 =	sld [smem:$0x3FDB];
	s0 =	simm.s32 @p2 $0x1  }
0x17: {  	s4 =	simm.s32 $0x1BF5;
	[smem:$0x3FBB] =	sst s0  }
0x18: {  	s0 =	sld [smem:$0x3F9E];
	_ =	swait.ge [sflag:s4], $0x0  }
0x19: {  	s7 =	sld [smem:$0x3F9F]  }
0x1a: {  	s8 =	sadd.s32 $0xFFFFE003, lr  }
0x1b: {  	s9 =	sadd.s32 $0xFFFFFEF7, lr;
	s5 =	simm.s32 $0xFFFFFFFF;
	p2 =	slt.u32 s8, $0xFFFFF086  }
0x1c: {  	p1 =	slt.u32 s9, $0xF7A;
	s5 =	simm.s32 @!p2 $0x0  }
0x1d: {  	s5 =	simm.s32 @p1 $0x1;
	p0 =	seq.s32 s7, s2  }
0x1e: {  	s7 =	smul.u32 @!p0 $0xF7A, s2;
	p2 =	seq.s32 @!p0 s5, $0x0  }
0x1f: {  	s9 =	smul.u32 $0xF7A, s1;
	s8 =	simm.s32 @!p0 $0x1BF5;
	p2 =	por !p2, p0  }
0x20: {  	[sflag:s8] =	ssyncset.s32 @!p0 $0xFFFFF086;
	s6 =	sadd.s32 @!p0 s3, s7;
	s7 =	simm.s32 @!p0 $0x108  }
0x21: {  	s3 =	sadd.s32 s3, s9;
	s6 =	sadd.s32 @!p0 $0x88, s6;
	s7 =	simm.s32 @p2 $0x1082  }
0x22: {  	[simem:s7], [sflag:s8] =	dma.local @!p0 [hbm:s6], $0xF7A  }
0x23: {  	s9 =	sor.u32 $0xD0000000, s2;
	s6 =	simm.s32 $0x108;
	_ =	swait.ge @!p0 [sflag:s8], $0x0  }
0x24: {  	s3 =	sadd.s32 $0x88, s3;
	s6 =	simm.s32 @!p1 $0x1082;
	[sflag:s4] =	ssyncset.s32 $0xFFFFF086  }
0x25: {  	[simem:s6], [sflag:s4] =	dma.local [hbm:s3], $0xF7A  }
0x26: {  	[smem:$0x3F9F] =	sst s1;
	(tag) =	ssettag s2;
	_ =	strace s9  }
0x27: {  	s1 =	sld [smem:$0x3FAF]  }
0x28: {  	s2 =	sld [smem:$0x3FB0]  }
0x29: {  	s4 =	sld [smem:$0x3FB2]  }
0x2a: {  	p0 =	seq.s32 s5, $0x0;
	s5 =	sld [smem:$0x3FB3]  }
0x2b: {  	s6 =	sld [smem:$0x3FB4]  }
0x2c: {  	s7 =	sld [smem:$0x3FB5]  }
0x2d: {  	s3 =	simm.s32 $0x108;
	s8 =	sld [smem:$0x3FB6]  }
0x2e: {  	s3 =	simm.s32 @!p0 $0x1082;
	s9 =	sld [smem:$0x3FB7]  }
0x2f: {  	lr =	sadd.s32 s0, s3;
	s0 =	sld [smem:$0x3FAE]  }
0x30: {  	s3 =	sld [smem:$0x3FB1]  }
0x31: {  	[smem:$0x3FBA] =	sst s10  }
0x32: {  	s10 =	sld [smem:$0x3FB8];
	_ =	sdelay $0x3  }
0x33: {  	p0 =	seq.s32 s10, $0x1;
	s10 =	sld [smem:$0x3FBA];
	_ =	sdelay $0x3  }
0x34: {  	[smem:$0x3FBA] =	sst s10  }
0x35: {  	s10 =	sld [smem:$0x3FB9];
	_ =	sdelay $0x3  }
0x36: {  	p1 =	seq.s32 s10, $0x1;
	s10 =	sld [smem:$0x3FBA];
	_ =	sdelay $0x3  }
0x37: {  	[smem:$0x3FBA] =	sst s10  }
0x38: {  	s10 =	sld [smem:$0x3FBB]  }
0x39: {  	_ = 	snop;
	(pc) =	sbr.ind lr, $3  }
0x3a: {  	_ = 	snop  }
0x3b: {  	_ = 	snop  }
0x3c: {  	p2 =	seq.s32 s10, $0x1;
	s10 =	sld [smem:$0x3FBA]  }
0x3d: {  	_ =	shalt  }
0x3e: {  	_ =	shalt  }
0x3f: {  	_ =	shalt  }
0x40: {  	_ =	shalt  }
0x41: {  	_ =	shalt  }
0x42: {  	_ =	shalt  }
0x43: {  	_ =	shalt  }
0x44: {  	_ =	shalt  }
0x45: {  	_ =	shalt  }
0x46: {  	_ =	shalt  }
0x47: {  	_ =	shalt  }
0x48: {  	_ =	shalt  }
0x49: {  	_ =	shalt  }
0x4a: {  	_ =	shalt  }
0x4b: {  	_ =	shalt  }
0x4c: {  	_ =	shalt  }
0x4d: {  	_ =	shalt  }
0x4e: {  	_ =	shalt  }
0x4f: {  	_ =	shalt  }
0x50: {  	_ =	shalt  }
0x51: {  	_ =	shalt  }
0x52: {  	_ =	shalt  }
0x53: {  	_ =	shalt  }
0x54: {  	_ =	shalt  }
0x55: {  	_ =	shalt  }
0x56: {  	_ =	shalt  }
0x57: {  	_ =	shalt  }
0x58: {  	_ =	shalt  }
0x59: {  	_ =	shalt  }
0x5a: {  	_ =	shalt  }
0x5b: {  	_ =	shalt  }
0x5c: {  	_ =	shalt  }
0x5d: {  	_ =	shalt  }
0x5e: {  	_ =	shalt  }
0x5f: {  	_ =	shalt  }
0x60: {  	_ =	shalt  }
0x61: {  	_ =	shalt  }
0x62: {  	_ =	shalt  }
0x63: {  	_ =	shalt  }
0x64: {  	_ =	shalt  }
0x65: {  	_ =	shalt  }
0x66: {  	_ =	shalt  }
0x67: {  	_ =	shalt  }
0x68: {  	_ =	shalt  }
0x69: {  	_ =	shalt  }
0x6a: {  	_ =	shalt  }
0x6b: {  	_ =	shalt  }
0x6c: {  	_ =	shalt  }
0x6d: {  	_ =	shalt  }
0x6e: {  	_ =	shalt  }
0x6f: {  	_ =	shalt  }
0x70: {  	_ =	shalt  }
0x71: {  	_ =	shalt  }
0x72: {  	_ =	shalt  }
0x73: {  	_ =	shalt  }
0x74: {  	_ =	shalt  }
0x75: {  	_ =	shalt  }
0x76: {  	_ =	shalt  }
0x77: {  	_ =	shalt  }
0x78: {  	_ =	shalt  }
0x79: {  	_ =	shalt  }
0x7a: {  	_ =	shalt  }
0x7b: {  	_ =	shalt  }
0x7c: {  	_ =	shalt  }
0x7d: {  	_ =	shalt  }
0x7e: {  	_ =	shalt  }
0x7f: {  	_ =	shalt  }
0x80: {  	_ =	shalt  }
0x81: {  	_ =	shalt  }
0x82: {  	_ =	shalt  }
0x83: {  	_ =	shalt  }
0x84: {  	_ =	shalt  }
0x85: {  	_ =	shalt  }
0x86: {  	_ =	shalt  }
0x87: {  	_ =	shalt  }
.Lfunc_end0:
.L_simem_size_0:
called_computation.1_lowered:
.L_overlay_start_0:
0x88: {  	s2 =	sld [smem:$0x3FD9]  }
0x89: {  	s3 =	sld [smem:$0x3FFE];
	_ =	sdelay $0x1  }
0x8a: {  	s1 =	srdreg.scid  }
0x8b: {  	s0 =	sand.u32 $0x1, s1  }
0x8c: {  	s17 =	sshll.u32 s0, $0xA;
	s2 =	sadd.s32 s3, s2  }
0x8d: {  	s2 =	sadd.s32 s2, s17  }
0x8e: {  	[smem:$0x3FC6] =	sst s2  }
0x8f: {  	_ = 	snop  }
0x90: {  	s2 =	sld [smem:$0x3FD0];
	(tm) =	ssettm $0x1  }
0x91: {  	s18 =	sld [smem:$0x3FFB];
	_ =	sdelay $0x3  }
0x92: {  	_ =	strace s18  }
0x93: {  	s3 =	sld [smem:$0x3FFC];
	_ =	sdelay $0x3  }
0x94: {  	_ =	strace s3  }
0x95: {  	s3 =	sld [smem:$0x3FFD];
	_ =	sdelay $0x3  }
0x96: {  	_ =	strace s3  }
0x97: {  	_ =	strace $0x8FFFFFFF  }
0x98: {  	s19 =	sld [smem:$0x3FDB];
	_ =	sdelay $0x1  }
0x99: {  	s4 =	simm.s32 $_scs_section_size  }
0x9a: {  	s5 =	simm.s32 $_size__tile_overlayer_lowered;
	s6 =	simm.s32 $_tile_overlayer_lowered  }
0x9b: {  	s22 =	simm.s32 $0x1BFF;
	s21 =	sshll.u32 s6, $0x1;
	s3 =	sadd.s32 s4, s19  }
0x9c: {  	s7 =	simm.s32 $0x0;
	s20 =	sshll.u32 s5, $0x1;
	s5 =	sadd.s32 s21, s3  }
0x9d: {  	[timem:s7], [sflag:s22] =	dma.local [hbm:s5], s20  }
0x9e: {  	_ =	swait.ge [sflag:s22], s20  }
0x9f: {  	s4 =	ssub.s32 $0x0, s20;
	[sflag:s22] =	ssyncset.done $0x0  }
0xa0: {  	[sflag:s22] =	ssyncadd.s32 s4;
	_ =	sdelay $0x1  }
0xa1: {  	s23 =	simm.s32 $0x1B8B  }
0xa2: {  	_ =	swait.ge [sflag:s23], $0x1  }
0xa3: {  	[sflag:s23] =	ssyncset.done $0x0  }
0xa4: {  	s25 =	simm.s32 $0x1B8E;
	s24 =	sld [smem:$0x3FFE];
	[sflag:s23] =	ssyncadd.s32 $0xFFFFFFFF  }
0xa5: {  	s26 =	simm.s32 $execute0_lowered;
	[smem:$0x3FD2] =	sst s25  }
0xa6: {  	s5 =	sshll.u32 s26, $0x1;
	_ =	strace $0x80000046;
	[dreg:$0x1] =	wrdreg $0xFFFFFFFF  }
0xa7: {  	s28 =	simm.s32 $_size_execute0_lowered;
	s3 =	sadd.s32 s3, s5;
	[dreg:$0x0] =	wrdreg $0x0  }
0xa8: {  	s5 =	sshll.u32 s28, $0x1;
	[dreg:$0x2] =	wrdreg s3  }
0xa9: {  	[dreg:$0x3] =	wrdreg s5  }
0xaa: {  	[dreg:$0x4] =	wrdreg $0xC0  }
0xab: {  	_ =	task [dreg:s7], $0x5FFFF  }
0xac: {  	[dreg:$0x1] =	wrdreg $0xFFFFFFFF  }
0xad: {  	[dreg:$0x0] =	wrdreg $0x60  }
0xae: {  	[dreg:$0x2] =	wrdreg s24  }
0xaf: {  	[dreg:$0x3] =	wrdreg s2  }
0xb0: {  	[dreg:$0x4] =	wrdreg $0x9  }
0xb1: {  	_ =	task.clear_ibuf [dreg:s7], $0x5FFFF;
	_ =	strace $0x90000046  }
0xb2: {  	s29 =	simm.s32 $0x9;
	_ =	strace $0x80000048  }
0xb3: {  	_ =	swait.ge [sflag:s29], $0x1  }
0xb4: {  	[sflag:s29] =	ssyncadd.s32 $0xFFFFFFFF  }
0xb5: {  	_ =	strace $0x90000048  }
0xb6: {  	_ =	sfence  }
0xb7: {  	s30 =	sld [smem:$0x0];
	_ =	sdelay $0x2  }
0xb8: {  	s31 =	sshll.u32 s1, $0xD;
	s1 =	sshrl.u32 s1, $0x2  }
0xb9: {  	s3 =	sand.u32 $0x4000, s31;
	s1 =	sadd.s32 s1, s30  }
0xba: {  	s0 =	sor.u32 s3, s0;
	s1 =	sshll.u32 s1, $0x11  }
0xbb: {  	s0 =	sor.u32 s1, s0  }
0xbc: {  	s0 =	sadd.s32 $0x8F2B, s0  }
0xbd: {  	[sflag:s0] =	ssyncadd.remote.s32 $0x1  }
0xbe: {  	_ =	sfence.sel $0xFFFF  }
0xbf: {  	[dreg:$0x0] =	wrdreg $0xFFFFFFFF;
	(pc) =	sbr.abs _section_cstart, $3  }
0xc0: {  	[dreg:$0x1] =	wrdreg $0xFFFFFFFF  }
0xc1: {  	_ =	task.clear_ibuf [dreg:s7], $0x2FFFF;
	_ =	strace $0x9FFFFFFF  }
0xc2: {  	(tm) =	ssettm $0x7FFFFFFF  }
0xc3: {  	_ =	shalt  }
tec
execute0_lowered:
.L_overlay_start_1:
0x0: {  	(tag) =	ssettag $0x1  }
0x1: {  	s0 =	rddreg [dreg:$0x0];
	s3 =	simm.s32 $0x0;
	s2 =	srdreg.scid  }
0x2: {  	s1 =	stileid.u32;
	s28 =	simm.s32 $0x3;
	s29 =	simm.s32 $0x4  }
0x3: {  	s30 =	simm.s32 $0x0;
	[smem:$0x7FF] =	sst s3;
	s5 =	smul.u32 $0x34000, s1  }
0x4: {  	s2 =	sand.u32 $0x1, s2;
	s4 =	sshll.u32 s1, $0xC;
	s7 =	smul.u32 $0x1A0000, s1  }
0x5: {  	_ =	strace $0x80000047;
	s6 =	sshll.u32 s2, $0xB;
	s8 =	smul.u32 $0xD0000, s2  }
0x6: {  	s22 =	ssub.s32 $0x2, s2;
	s2 =	smul.u32 $0x1A000, s2;
	s4 =	sor.u32 s6, s4  }
0x7: {  	s10 =	sshrl.u32 s22, $0x1;
	s9 =	sadd.s32 s4, s0;
	s4 =	sadd.s32 $0x10800, s0  }
0x8: {  	s0 =	ssub.s32 s22, s10;
	s6 =	sadd.s32 s8, s7;
	s2 =	sadd.s32 s2, s5  }
0x9: {  	s23 =	sadd.s32 $0x800, s9;
	s24 =	sor.u32 $0x2D80, s6;
	[dreg:$0x3] =	wrdreg s2  }
0xa: {  	s26 =	sor.u32 $0x2700, s6;
	s1 =	sor.u32 $0x2080, s6;
	s8 =	sor.u32 $0x1A00, s6  }
0xb: {  	s10 =	sor.u32 $0x1380, s6;
	s12 =	sor.u32 $0xD00, s6;
	s14 =	sor.u32 $0x6180, s6  }
0xc: {  	s16 =	sor.u32 $0x5B00, s6;
	s0 =	smax.u32 s0, $0x1;
	[dreg:$0x11] =	wrdreg s23  }
0xd: {  	s18 =	sor.u32 $0x5480, s6;
	s25 =	sshrl.u32 s24, $0x3;
	[dreg:$0x12] =	wrdreg s0  }
0xe: {  	s20 =	sor.u32 $0x4E00, s6;
	s31 =	sshrl.u32 s26, $0x3;
	[dreg:$0x4] =	wrdreg s25  }
0xf: {  	s22 =	sor.u32 $0x4780, s6;
	s7 =	sshrl.u32 s1, $0x3;
	[dreg:$0x5] =	wrdreg s31  }
0x10: {  	s9 =	sshrl.u32 s8, $0x3;
	s11 =	sshrl.u32 s10, $0x3;
	[dreg:$0x6] =	wrdreg s7  }
0x11: {  	s13 =	sshrl.u32 s12, $0x3;
	s15 =	sshrl.u32 s14, $0x3;
	[dreg:$0x7] =	wrdreg s9  }
0x12: {  	s17 =	sshrl.u32 s16, $0x3;
	s19 =	sshrl.u32 s18, $0x3;
	[dreg:$0x8] =	wrdreg s11  }
0x13: {  	s21 =	sshrl.u32 s20, $0x3;
	s23 =	sshrl.u32 s22, $0x3;
	[dreg:$0x9] =	wrdreg s13  }
0x14: {  	s24 =	sor.u32 $0x4100, s6;
	s26 =	sor.u32 $0x3A80, s6;
	[dreg:$0xa] =	wrdreg s15  }
0x15: {  	s8 =	simm.s32 $0x1A;
	s10 =	simm.s32 $0x4680;
	[dreg:$0xb] =	wrdreg s17  }
0x16: {  	s12 =	simm.s32 $0x5380;
	s14 =	simm.s32 $0x6080;
	[dreg:$0xc] =	wrdreg s19  }
0x17: {  	s16 =	simm.s32 $0x6D80;
	s18 =	simm.s32 $0x7A80;
	[dreg:$0xd] =	wrdreg s21  }
0x18: {  	s20 =	simm.s32 $0x8780;
	s22 =	simm.s32 $0x9480;
	[dreg:$0xe] =	wrdreg s23  }
0x19: {  	s25 =	sshrl.u32 s24, $0x3;
	s31 =	sshrl.u32 s26, $0x3;
	s9 =	simm.s32 $0x4000  }
0x1a: {  	s11 =	simm.s32 $0x4D00;
	s13 =	simm.s32 $0x5A00;
	s15 =	simm.s32 $0x6700  }
0x1b: {  	s17 =	simm.s32 $0x7400;
	s19 =	simm.s32 $0x8100;
	s21 =	simm.s32 $0x8E00  }
0x1c: {  	s23 =	simm.s32 $0x9B00;
	s24 =	simm.s32 $0xA180;
	[dreg:$0xf] =	wrdreg s25  }
0x1d: {  	s26 =	simm.s32 $0x2;
	[dreg:$0x10] =	wrdreg s31;
	s25 =	simm.s32 $0x1  }
.LBB2_1:
0x1e: {  	s0 =	rddreg [dreg:$0x11];
	s1 =	simm.s32 $0x5  }
0x1f: {  	[tilespmem:s3], [sflag:$0x5] =	stream.linear.gather [hbm4b:s0+s3], $0x4000, $0x38;
	[tilespmem:$0xA800] =	vst v63  }
0x20: {  	_ =	swait.ge [sflag:s1], $0x4000  }
0x21: {  	[sflag:s1] =	ssyncset.done $0x0  }
0x22: {  	s2 =	simm.s32 $0x0;
	[sflag:s1] =	ssyncadd.s32 $0xFFFFC000  }
0x23: {  	[tilespmem:s9], [sflag:$0x1] =	stream.indirect.gather [hbm4b:s4+s8], $0x40, s2, s8, $0xb8;
	[tilespmem:$0xA800] =	vst v63  }
0x24: {  	s5 =	simm.s32 $0x20  }
0x25: {  	[tilespmem:s10], [sflag:$0x1] =	stream.indirect.gather [hbm4b:s4+s8], $0x40, s5, s8, $0xb8;
	[tilespmem:$0xA800] =	vst v63  }
0x26: {  	s6 =	simm.s32 $0x40  }
0x27: {  	[tilespmem:s11], [sflag:$0x1] =	stream.indirect.gather [hbm4b:s4+s8], $0x40, s6, s8, $0xb8;
	[tilespmem:$0xA800] =	vst v63  }
0x28: {  	s7 =	simm.s32 $0x60  }
0x29: {  	[tilespmem:s12], [sflag:$0x1] =	stream.indirect.gather [hbm4b:s4+s8], $0x40, s7, s8, $0xb8;
	[tilespmem:$0xA800] =	vst v63  }
0x2a: {  	s1 =	simm.s32 $0x80  }
0x2b: {  	[tilespmem:s13], [sflag:$0x1] =	stream.indirect.gather [hbm4b:s4+s8], $0x40, s1, s8, $0xb8;
	[tilespmem:$0xA800] =	vst v63  }
0x2c: {  	s2 =	simm.s32 $0xA0  }
0x2d: {  	[tilespmem:s14], [sflag:$0x1] =	stream.indirect.gather [hbm4b:s4+s8], $0x40, s2, s8, $0xb8;
	[tilespmem:$0xA800] =	vst v63  }
0x2e: {  	s5 =	simm.s32 $0xC0  }
0x2f: {  	[tilespmem:s15], [sflag:$0x1] =	stream.indirect.gather [hbm4b:s4+s8], $0x40, s5, s8, $0xb8;
	[tilespmem:$0xA800] =	vst v63  }
0x30: {  	s6 =	simm.s32 $0xE0  }
0x31: {  	[tilespmem:s16], [sflag:$0x1] =	stream.indirect.gather [hbm4b:s4+s8], $0x40, s6, s8, $0xb8;
	[tilespmem:$0xA800] =	vst v63  }
0x32: {  	s7 =	simm.s32 $0x100  }
0x33: {  	[tilespmem:s17], [sflag:$0x2] =	stream.indirect.gather [hbm4b:s4+s8], $0x40, s7, s8, $0xb8;
	[tilespmem:$0xA800] =	vst v63  }
0x34: {  	s1 =	simm.s32 $0x120  }
0x35: {  	[tilespmem:s18], [sflag:$0x2] =	stream.indirect.gather [hbm4b:s4+s8], $0x40, s1, s8, $0xb8;
	[tilespmem:$0xA800] =	vst v63  }
0x36: {  	s2 =	simm.s32 $0x140  }
0x37: {  	[tilespmem:s19], [sflag:$0x2] =	stream.indirect.gather [hbm4b:s4+s8], $0x40, s2, s8, $0xb8;
	[tilespmem:$0xA800] =	vst v63  }
0x38: {  	s5 =	simm.s32 $0x160  }
0x39: {  	[tilespmem:s20], [sflag:$0x2] =	stream.indirect.gather [hbm4b:s4+s8], $0x40, s5, s8, $0xb8;
	[tilespmem:$0xA800] =	vst v63  }
0x3a: {  	s6 =	simm.s32 $0x180  }
0x3b: {  	[tilespmem:s21], [sflag:$0x2] =	stream.indirect.gather [hbm4b:s4+s8], $0x40, s6, s8, $0xb8;
	[tilespmem:$0xA800] =	vst v63  }
0x3c: {  	s7 =	simm.s32 $0x1A0  }
0x3d: {  	[tilespmem:s22], [sflag:$0x2] =	stream.indirect.gather [hbm4b:s4+s8], $0x40, s7, s8, $0xb8;
	[tilespmem:$0xA800] =	vst v63  }
0x3e: {  	s1 =	simm.s32 $0x1C0  }
0x3f: {  	[tilespmem:s23], [sflag:$0x2] =	stream.indirect.gather [hbm4b:s4+s8], $0x40, s1, s8, $0xb8;
	[tilespmem:$0xA800] =	vst v63  }
0x40: {  	s2 =	simm.s32 $0x1E0  }
0x41: {  	[tilespmem:s24], [sflag:$0x2] =	stream.indirect.gather [hbm4b:s4+s8], $0x40, s2, s8, $0xb8;
	[tilespmem:$0xA800] =	vst v63  }
0x42: {  	_ =	swait.ge [sflag:s25], $0x680  }
0x43: {  	[sflag:s25] =	ssyncset.done $0x0  }
0x44: {  	[sflag:s25] =	ssyncadd.s32 $0xFFFFF980  }
0x45: {  	_ =	swait.ge [sflag:s25], $0x680  }
0x46: {  	[sflag:s25] =	ssyncset.done $0x0  }
0x47: {  	[sflag:s25] =	ssyncadd.s32 $0xFFFFF980  }
0x48: {  	_ =	swait.ge [sflag:s25], $0x680  }
0x49: {  	[sflag:s25] =	ssyncset.done $0x0  }
0x4a: {  	[sflag:s25] =	ssyncadd.s32 $0xFFFFF980  }
0x4b: {  	_ =	swait.ge [sflag:s25], $0x680  }
0x4c: {  	[sflag:s25] =	ssyncset.done $0x0  }
0x4d: {  	[sflag:s25] =	ssyncadd.s32 $0xFFFFF980  }
0x4e: {  	_ =	swait.ge [sflag:s25], $0x680  }
0x4f: {  	[sflag:s25] =	ssyncset.done $0x0  }
0x50: {  	[sflag:s25] =	ssyncadd.s32 $0xFFFFF980  }
0x51: {  	_ =	swait.ge [sflag:s25], $0x680  }
0x52: {  	[sflag:s25] =	ssyncset.done $0x0  }
0x53: {  	[sflag:s25] =	ssyncadd.s32 $0xFFFFF980  }
0x54: {  	_ =	swait.ge [sflag:s25], $0x680  }
0x55: {  	[sflag:s25] =	ssyncset.done $0x0  }
0x56: {  	[sflag:s25] =	ssyncadd.s32 $0xFFFFF980  }
0x57: {  	_ =	swait.ge [sflag:s25], $0x680  }
0x58: {  	[sflag:s25] =	ssyncset.done $0x0  }
0x59: {  	s5 =	rddreg [dreg:$0x3];
	[sflag:s25] =	ssyncadd.s32 $0xFFFFF980  }
0x5a: {  	s1 =	rddreg [dreg:$0x1]  }
0x5b: {  	s0 =	sadd.s32 s1, s5  }
0x5c: {  	[hbm4b:s0+s3] =	stream.linear.scatter [tilespmem:s9], [sflag:$0x3], $0x680, $0x38;
	[tilespmem:$0xA800] =	vst v63  }
0x5d: {  	s2 =	rddreg [dreg:$0x9];
	s5 =	sadd.s32 $0xD0, s0  }
0x5e: {  	[hbm4b:s5+s3] =	stream.linear.scatter [tilespmem:s10], [sflag:$0x3], $0x680, $0x38;
	[tilespmem:$0xA800] =	vst v63  }
0x5f: {  	s6 =	rddreg [dreg:$0x8];
	s2 =	sadd.s32 s1, s2  }
0x60: {  	[hbm4b:s2+s3] =	stream.linear.scatter [tilespmem:s11], [sflag:$0x3], $0x680, $0x38;
	[tilespmem:$0xA800] =	vst v63  }
0x61: {  	s7 =	rddreg [dreg:$0x7];
	s5 =	sadd.s32 s1, s6  }
0x62: {  	[hbm4b:s5+s3] =	stream.linear.scatter [tilespmem:s12], [sflag:$0x3], $0x680, $0x38;
	[tilespmem:$0xA800] =	vst v63  }
0x63: {  	s6 =	rddreg [dreg:$0x6];
	s2 =	sadd.s32 s1, s7  }
0x64: {  	[hbm4b:s2+s3] =	stream.linear.scatter [tilespmem:s13], [sflag:$0x3], $0x680, $0x38;
	[tilespmem:$0xA800] =	vst v63  }
0x65: {  	s7 =	rddreg [dreg:$0x5];
	s5 =	sadd.s32 s1, s6  }
0x66: {  	[hbm4b:s5+s3] =	stream.linear.scatter [tilespmem:s14], [sflag:$0x3], $0x680, $0x38;
	[tilespmem:$0xA800] =	vst v63  }
0x67: {  	s6 =	rddreg [dreg:$0x4];
	s2 =	sadd.s32 s1, s7  }
0x68: {  	[hbm4b:s2+s3] =	stream.linear.scatter [tilespmem:s15], [sflag:$0x3], $0x680, $0x38;
	[tilespmem:$0xA800] =	vst v63  }
0x69: {  	s7 =	sadd.s32 s1, s6  }
0x6a: {  	[hbm4b:s7+s3] =	stream.linear.scatter [tilespmem:s16], [sflag:$0x3], $0x680, $0x38;
	[tilespmem:$0xA800] =	vst v63  }
0x6b: {  	_ =	swait.ge [sflag:s26], $0x680  }
0x6c: {  	[sflag:s26] =	ssyncset.done $0x0  }
0x6d: {  	[sflag:s26] =	ssyncadd.s32 $0xFFFFF980  }
0x6e: {  	_ =	swait.ge [sflag:s26], $0x680  }
0x6f: {  	[sflag:s26] =	ssyncset.done $0x0  }
0x70: {  	[sflag:s26] =	ssyncadd.s32 $0xFFFFF980  }
0x71: {  	_ =	swait.ge [sflag:s26], $0x680  }
0x72: {  	[sflag:s26] =	ssyncset.done $0x0  }
0x73: {  	[sflag:s26] =	ssyncadd.s32 $0xFFFFF980  }
0x74: {  	_ =	swait.ge [sflag:s26], $0x680  }
0x75: {  	[sflag:s26] =	ssyncset.done $0x0  }
0x76: {  	[sflag:s26] =	ssyncadd.s32 $0xFFFFF980  }
0x77: {  	_ =	swait.ge [sflag:s26], $0x680  }
0x78: {  	[sflag:s26] =	ssyncset.done $0x0  }
0x79: {  	[sflag:s26] =	ssyncadd.s32 $0xFFFFF980  }
0x7a: {  	_ =	swait.ge [sflag:s26], $0x680  }
0x7b: {  	[sflag:s26] =	ssyncset.done $0x0  }
0x7c: {  	[sflag:s26] =	ssyncadd.s32 $0xFFFFF980  }
0x7d: {  	_ =	swait.ge [sflag:s26], $0x680  }
0x7e: {  	[sflag:s26] =	ssyncset.done $0x0  }
0x7f: {  	[sflag:s26] =	ssyncadd.s32 $0xFFFFF980  }
0x80: {  	_ =	swait.ge [sflag:s26], $0x680  }
0x81: {  	[sflag:s26] =	ssyncset.done $0x0  }
0x82: {  	s0 =	sadd.s32 $0x680, s0;
	s5 =	rddreg [dreg:$0x10];
	[sflag:s26] =	ssyncadd.s32 $0xFFFFF980  }
0x83: {  	[hbm4b:s0+s3] =	stream.linear.scatter [tilespmem:s17], [sflag:$0x4], $0x680, $0x38;
	[tilespmem:$0xA800] =	vst v63  }
0x84: {  	s6 =	rddreg [dreg:$0xf];
	s7 =	sadd.s32 s1, s5  }
0x85: {  	[hbm4b:s7+s3] =	stream.linear.scatter [tilespmem:s18], [sflag:$0x4], $0x680, $0x38;
	[tilespmem:$0xA800] =	vst v63  }
0x86: {  	s2 =	rddreg [dreg:$0xe];
	s6 =	sadd.s32 s1, s6  }
0x87: {  	[hbm4b:s6+s3] =	stream.linear.scatter [tilespmem:s19], [sflag:$0x4], $0x680, $0x38;
	[tilespmem:$0xA800] =	vst v63  }
0x88: {  	s2 =	sadd.s32 s1, s2;
	s7 =	rddreg [dreg:$0xd]  }
0x89: {  	[hbm4b:s2+s3] =	stream.linear.scatter [tilespmem:s20], [sflag:$0x4], $0x680, $0x38;
	[tilespmem:$0xA800] =	vst v63  }
0x8a: {  	s7 =	sadd.s32 s1, s7;
	s6 =	rddreg [dreg:$0xc]  }
0x8b: {  	[hbm4b:s7+s3] =	stream.linear.scatter [tilespmem:s21], [sflag:$0x4], $0x680, $0x38;
	[tilespmem:$0xA800] =	vst v63  }
0x8c: {  	s5 =	rddreg [dreg:$0xb];
	s6 =	sadd.s32 s1, s6  }
0x8d: {  	[hbm4b:s6+s3] =	stream.linear.scatter [tilespmem:s22], [sflag:$0x4], $0x680, $0x38;
	[tilespmem:$0xA800] =	vst v63  }
0x8e: {  	s7 =	rddreg [dreg:$0xa];
	s6 =	sadd.s32 s1, s5  }
0x8f: {  	[hbm4b:s6+s3] =	stream.linear.scatter [tilespmem:s23], [sflag:$0x4], $0x680, $0x38;
	[tilespmem:$0xA800] =	vst v63  }
0x90: {  	s7 =	sadd.s32 s1, s7  }
0x91: {  	[hbm4b:s7+s3] =	stream.linear.scatter [tilespmem:s24], [sflag:$0x4], $0x680, $0x38;
	[tilespmem:$0xA800] =	vst v63  }
0x92: {  	_ =	swait.ge [sflag:s28], $0x680  }
0x93: {  	[sflag:s28] =	ssyncset.done $0x0  }
0x94: {  	[sflag:s28] =	ssyncadd.s32 $0xFFFFF980  }
0x95: {  	_ =	swait.ge [sflag:s28], $0x680  }
0x96: {  	[sflag:s28] =	ssyncset.done $0x0  }
0x97: {  	[sflag:s28] =	ssyncadd.s32 $0xFFFFF980  }
0x98: {  	_ =	swait.ge [sflag:s28], $0x680  }
0x99: {  	[sflag:s28] =	ssyncset.done $0x0  }
0x9a: {  	[sflag:s28] =	ssyncadd.s32 $0xFFFFF980  }
0x9b: {  	_ =	swait.ge [sflag:s28], $0x680  }
0x9c: {  	[sflag:s28] =	ssyncset.done $0x0  }
0x9d: {  	[sflag:s28] =	ssyncadd.s32 $0xFFFFF980  }
0x9e: {  	_ =	swait.ge [sflag:s28], $0x680  }
0x9f: {  	[sflag:s28] =	ssyncset.done $0x0  }
0xa0: {  	[sflag:s28] =	ssyncadd.s32 $0xFFFFF980  }
0xa1: {  	_ =	swait.ge [sflag:s28], $0x680  }
0xa2: {  	[sflag:s28] =	ssyncset.done $0x0  }
0xa3: {  	[sflag:s28] =	ssyncadd.s32 $0xFFFFF980  }
0xa4: {  	_ =	swait.ge [sflag:s28], $0x680  }
0xa5: {  	[sflag:s28] =	ssyncset.done $0x0  }
0xa6: {  	[sflag:s28] =	ssyncadd.s32 $0xFFFFF980  }
0xa7: {  	_ =	swait.ge [sflag:s28], $0x680  }
0xa8: {  	[sflag:s28] =	ssyncset.done $0x0  }
0xa9: {  	[sflag:s28] =	ssyncadd.s32 $0xFFFFF980  }
0xaa: {  	_ =	swait.ge [sflag:s29], $0x680  }
0xab: {  	[sflag:s29] =	ssyncset.done $0x0  }
0xac: {  	[sflag:s29] =	ssyncadd.s32 $0xFFFFF980  }
0xad: {  	_ =	swait.ge [sflag:s29], $0x680  }
0xae: {  	[sflag:s29] =	ssyncset.done $0x0  }
0xaf: {  	[sflag:s29] =	ssyncadd.s32 $0xFFFFF980  }
0xb0: {  	_ =	swait.ge [sflag:s29], $0x680  }
0xb1: {  	[sflag:s29] =	ssyncset.done $0x0  }
0xb2: {  	[sflag:s29] =	ssyncadd.s32 $0xFFFFF980  }
0xb3: {  	_ =	swait.ge [sflag:s29], $0x680  }
0xb4: {  	[sflag:s29] =	ssyncset.done $0x0  }
0xb5: {  	[sflag:s29] =	ssyncadd.s32 $0xFFFFF980  }
0xb6: {  	_ =	swait.ge [sflag:s29], $0x680  }
0xb7: {  	[sflag:s29] =	ssyncset.done $0x0  }
0xb8: {  	[sflag:s29] =	ssyncadd.s32 $0xFFFFF980  }
0xb9: {  	_ =	swait.ge [sflag:s29], $0x680  }
0xba: {  	[sflag:s29] =	ssyncset.done $0x0  }
0xbb: {  	[sflag:s29] =	ssyncadd.s32 $0xFFFFF980  }
0xbc: {  	_ =	swait.ge [sflag:s29], $0x680  }
0xbd: {  	[sflag:s29] =	ssyncset.done $0x0  }
0xbe: {  	[sflag:s29] =	ssyncadd.s32 $0xFFFFF980  }
0xbf: {  	s31 =	sadd.s32 $0xD00, s1;
	_ =	swait.ge [sflag:s29], $0x680  }
0xc0: {  	s0 =	simm.s32 $0x800;
	s2 =	simm.s32 $0x1000;
	[sflag:s29] =	ssyncset.done $0x0  }
.LBB2_2:
0xc1: {  	s5 =	sshra.s32 s0, $0x2;
	[sflag:s29] =	ssyncadd.s32 $0xFFFFF980  }
0xc2: {  	[tilespmem:s9], [sflag:$0x1] =	stream.indirect.gather [hbm4b:s4+s8], $0x40, s5, s8, $0xb8;
	[tilespmem:$0xA800] =	vst v63  }
0xc3: {  	s1 =	sadd.s32 $0x20, s5  }
0xc4: {  	[tilespmem:s10], [sflag:$0x1] =	stream.indirect.gather [hbm4b:s4+s8], $0x40, s1, s8, $0xb8;
	[tilespmem:$0xA800] =	vst v63  }
0xc5: {  	s7 =	sadd.s32 $0x40, s5  }
0xc6: {  	[tilespmem:s11], [sflag:$0x1] =	stream.indirect.gather [hbm4b:s4+s8], $0x40, s7, s8, $0xb8;
	[tilespmem:$0xA800] =	vst v63  }
0xc7: {  	s1 =	sadd.s32 $0x60, s5  }
0xc8: {  	[tilespmem:s12], [sflag:$0x1] =	stream.indirect.gather [hbm4b:s4+s8], $0x40, s1, s8, $0xb8;
	[tilespmem:$0xA800] =	vst v63  }
0xc9: {  	s7 =	sadd.s32 $0x80, s5  }
0xca: {  	[tilespmem:s13], [sflag:$0x1] =	stream.indirect.gather [hbm4b:s4+s8], $0x40, s7, s8, $0xb8;
	[tilespmem:$0xA800] =	vst v63  }
0xcb: {  	s1 =	sadd.s32 $0xA0, s5  }
0xcc: {  	[tilespmem:s14], [sflag:$0x1] =	stream.indirect.gather [hbm4b:s4+s8], $0x40, s1, s8, $0xb8;
	[tilespmem:$0xA800] =	vst v63  }
0xcd: {  	s7 =	sadd.s32 $0xC0, s5  }
0xce: {  	[tilespmem:s15], [sflag:$0x1] =	stream.indirect.gather [hbm4b:s4+s8], $0x40, s7, s8, $0xb8;
	[tilespmem:$0xA800] =	vst v63  }
0xcf: {  	s1 =	sadd.s32 $0xE0, s5  }
0xd0: {  	[tilespmem:s16], [sflag:$0x1] =	stream.indirect.gather [hbm4b:s4+s8], $0x40, s1, s8, $0xb8;
	[tilespmem:$0xA800] =	vst v63  }
0xd1: {  	s7 =	sadd.s32 $0x100, s5  }
0xd2: {  	[tilespmem:s17], [sflag:$0x2] =	stream.indirect.gather [hbm4b:s4+s8], $0x40, s7, s8, $0xb8;
	[tilespmem:$0xA800] =	vst v63  }
0xd3: {  	s1 =	sadd.s32 $0x120, s5  }
0xd4: {  	[tilespmem:s18], [sflag:$0x2] =	stream.indirect.gather [hbm4b:s4+s8], $0x40, s1, s8, $0xb8;
	[tilespmem:$0xA800] =	vst v63  }
0xd5: {  	s7 =	sadd.s32 $0x140, s5  }
0xd6: {  	[tilespmem:s19], [sflag:$0x2] =	stream.indirect.gather [hbm4b:s4+s8], $0x40, s7, s8, $0xb8;
	[tilespmem:$0xA800] =	vst v63  }
0xd7: {  	s1 =	sadd.s32 $0x160, s5  }
0xd8: {  	[tilespmem:s20], [sflag:$0x2] =	stream.indirect.gather [hbm4b:s4+s8], $0x40, s1, s8, $0xb8;
	[tilespmem:$0xA800] =	vst v63  }
0xd9: {  	s7 =	sadd.s32 $0x180, s5  }
0xda: {  	[tilespmem:s21], [sflag:$0x2] =	stream.indirect.gather [hbm4b:s4+s8], $0x40, s7, s8, $0xb8;
	[tilespmem:$0xA800] =	vst v63  }
0xdb: {  	s1 =	sadd.s32 $0x1A0, s5  }
0xdc: {  	[tilespmem:s22], [sflag:$0x2] =	stream.indirect.gather [hbm4b:s4+s8], $0x40, s1, s8, $0xb8;
	[tilespmem:$0xA800] =	vst v63  }
0xdd: {  	s7 =	sadd.s32 $0x1C0, s5  }
0xde: {  	[tilespmem:s23], [sflag:$0x2] =	stream.indirect.gather [hbm4b:s4+s8], $0x40, s7, s8, $0xb8;
	[tilespmem:$0xA800] =	vst v63  }
0xdf: {  	s1 =	sadd.s32 $0x1E0, s5  }
0xe0: {  	[tilespmem:s24], [sflag:$0x2] =	stream.indirect.gather [hbm4b:s4+s8], $0x40, s1, s8, $0xb8;
	[tilespmem:$0xA800] =	vst v63  }
0xe1: {  	_ =	swait.ge [sflag:s25], $0x680  }
0xe2: {  	[sflag:s25] =	ssyncset.done $0x0  }
0xe3: {  	[sflag:s25] =	ssyncadd.s32 $0xFFFFF980  }
0xe4: {  	_ =	swait.ge [sflag:s25], $0x680  }
0xe5: {  	[sflag:s25] =	ssyncset.done $0x0  }
0xe6: {  	[sflag:s25] =	ssyncadd.s32 $0xFFFFF980  }
0xe7: {  	_ =	swait.ge [sflag:s25], $0x680  }
0xe8: {  	[sflag:s25] =	ssyncset.done $0x0  }
0xe9: {  	[sflag:s25] =	ssyncadd.s32 $0xFFFFF980  }
0xea: {  	_ =	swait.ge [sflag:s25], $0x680  }
0xeb: {  	[sflag:s25] =	ssyncset.done $0x0  }
0xec: {  	[sflag:s25] =	ssyncadd.s32 $0xFFFFF980  }
0xed: {  	_ =	swait.ge [sflag:s25], $0x680  }
0xee: {  	[sflag:s25] =	ssyncset.done $0x0  }
0xef: {  	[sflag:s25] =	ssyncadd.s32 $0xFFFFF980  }
0xf0: {  	_ =	swait.ge [sflag:s25], $0x680  }
0xf1: {  	[sflag:s25] =	ssyncset.done $0x0  }
0xf2: {  	[sflag:s25] =	ssyncadd.s32 $0xFFFFF980  }
0xf3: {  	_ =	swait.ge [sflag:s25], $0x680  }
0xf4: {  	[sflag:s25] =	ssyncset.done $0x0  }
0xf5: {  	[sflag:s25] =	ssyncadd.s32 $0xFFFFF980  }
0xf6: {  	_ =	swait.ge [sflag:s25], $0x680  }
0xf7: {  	s0 =	smov.u32 s2;
	s5 =	rddreg [dreg:$0x3];
	[sflag:s25] =	ssyncset.done $0x0  }
0xf8: {  	s6 =	sadd.s32 $0x800, s2;
	[sflag:s25] =	ssyncadd.s32 $0xFFFFF980;
	s5 =	sadd.s32 s31, s5  }
0xf9: {  	[hbm4b:s5+s3] =	stream.linear.scatter [tilespmem:s9], [sflag:$0x3], $0x680, $0x38;
	[tilespmem:$0xA800] =	vst v63  }
0xfa: {  	p0 =	sne.s32 s2, $0xF800;
	s2 =	rddreg [dreg:$0x9];
	s7 =	sadd.s32 $0xD0, s5  }
0xfb: {  	[hbm4b:s7+s3] =	stream.linear.scatter [tilespmem:s10], [sflag:$0x3], $0x680, $0x38;
	[tilespmem:$0xA800] =	vst v63  }
0xfc: {  	s1 =	rddreg [dreg:$0x8];
	s2 =	sadd.s32 s31, s2  }
0xfd: {  	[hbm4b:s2+s3] =	stream.linear.scatter [tilespmem:s11], [sflag:$0x3], $0x680, $0x38;
	[tilespmem:$0xA800] =	vst v63  }
0xfe: {  	s1 =	sadd.s32 s31, s1;
	s7 =	rddreg [dreg:$0x7]  }
0xff: {  	[hbm4b:s1+s3] =	stream.linear.scatter [tilespmem:s12], [sflag:$0x3], $0x680, $0x38;
	[tilespmem:$0xA800] =	vst v63  }
0x100: {  	s2 =	rddreg [dreg:$0x6];
	s1 =	sadd.s32 s31, s7  }
0x101: {  	[hbm4b:s1+s3] =	stream.linear.scatter [tilespmem:s13], [sflag:$0x3], $0x680, $0x38;
	[tilespmem:$0xA800] =	vst v63  }
0x102: {  	s7 =	rddreg [dreg:$0x5];
	s1 =	sadd.s32 s31, s2  }
0x103: {  	[hbm4b:s1+s3] =	stream.linear.scatter [tilespmem:s14], [sflag:$0x3], $0x680, $0x38;
	[tilespmem:$0xA800] =	vst v63  }
0x104: {  	s7 =	sadd.s32 s31, s7;
	s2 =	rddreg [dreg:$0x4]  }
0x105: {  	[hbm4b:s7+s3] =	stream.linear.scatter [tilespmem:s15], [sflag:$0x3], $0x680, $0x38;
	[tilespmem:$0xA800] =	vst v63  }
0x106: {  	s2 =	sadd.s32 s31, s2  }
0x107: {  	[hbm4b:s2+s3] =	stream.linear.scatter [tilespmem:s16], [sflag:$0x3], $0x680, $0x38;
	[tilespmem:$0xA800] =	vst v63  }
0x108: {  	_ =	swait.ge [sflag:s26], $0x680  }
0x109: {  	[sflag:s26] =	ssyncset.done $0x0  }
0x10a: {  	[sflag:s26] =	ssyncadd.s32 $0xFFFFF980  }
0x10b: {  	_ =	swait.ge [sflag:s26], $0x680  }
0x10c: {  	[sflag:s26] =	ssyncset.done $0x0  }
0x10d: {  	[sflag:s26] =	ssyncadd.s32 $0xFFFFF980  }
0x10e: {  	_ =	swait.ge [sflag:s26], $0x680  }
0x10f: {  	[sflag:s26] =	ssyncset.done $0x0  }
0x110: {  	[sflag:s26] =	ssyncadd.s32 $0xFFFFF980  }
0x111: {  	_ =	swait.ge [sflag:s26], $0x680  }
0x112: {  	[sflag:s26] =	ssyncset.done $0x0  }
0x113: {  	[sflag:s26] =	ssyncadd.s32 $0xFFFFF980  }
0x114: {  	_ =	swait.ge [sflag:s26], $0x680  }
0x115: {  	[sflag:s26] =	ssyncset.done $0x0  }
0x116: {  	[sflag:s26] =	ssyncadd.s32 $0xFFFFF980  }
0x117: {  	_ =	swait.ge [sflag:s26], $0x680  }
0x118: {  	[sflag:s26] =	ssyncset.done $0x0  }
0x119: {  	[sflag:s26] =	ssyncadd.s32 $0xFFFFF980  }
0x11a: {  	_ =	swait.ge [sflag:s26], $0x680  }
0x11b: {  	[sflag:s26] =	ssyncset.done $0x0  }
0x11c: {  	[sflag:s26] =	ssyncadd.s32 $0xFFFFF980  }
0x11d: {  	_ =	swait.ge [sflag:s26], $0x680  }
0x11e: {  	[sflag:s26] =	ssyncset.done $0x0  }
0x11f: {  	s5 =	sadd.s32 $0x680, s5;
	s1 =	rddreg [dreg:$0x10];
	[sflag:s26] =	ssyncadd.s32 $0xFFFFF980  }
0x120: {  	[hbm4b:s5+s3] =	stream.linear.scatter [tilespmem:s17], [sflag:$0x4], $0x680, $0x38;
	[tilespmem:$0xA800] =	vst v63  }
0x121: {  	s7 =	rddreg [dreg:$0xf];
	s1 =	sadd.s32 s31, s1  }
0x122: {  	[hbm4b:s1+s3] =	stream.linear.scatter [tilespmem:s18], [sflag:$0x4], $0x680, $0x38;
	[tilespmem:$0xA800] =	vst v63  }
0x123: {  	s2 =	rddreg [dreg:$0xe];
	s7 =	sadd.s32 s31, s7  }
0x124: {  	[hbm4b:s7+s3] =	stream.linear.scatter [tilespmem:s19], [sflag:$0x4], $0x680, $0x38;
	[tilespmem:$0xA800] =	vst v63  }
0x125: {  	s5 =	rddreg [dreg:$0xd];
	s7 =	sadd.s32 s31, s2  }
0x126: {  	[hbm4b:s7+s3] =	stream.linear.scatter [tilespmem:s20], [sflag:$0x4], $0x680, $0x38;
	[tilespmem:$0xA800] =	vst v63  }
0x127: {  	s2 =	rddreg [dreg:$0xc];
	s7 =	sadd.s32 s31, s5  }
0x128: {  	[hbm4b:s7+s3] =	stream.linear.scatter [tilespmem:s21], [sflag:$0x4], $0x680, $0x38;
	[tilespmem:$0xA800] =	vst v63  }
0x129: {  	s2 =	sadd.s32 s31, s2;
	s5 =	rddreg [dreg:$0xb]  }
0x12a: {  	[hbm4b:s2+s3] =	stream.linear.scatter [tilespmem:s22], [sflag:$0x4], $0x680, $0x38;
	[tilespmem:$0xA800] =	vst v63  }
0x12b: {  	s5 =	sadd.s32 s31, s5;
	s7 =	rddreg [dreg:$0xa]  }
0x12c: {  	[hbm4b:s5+s3] =	stream.linear.scatter [tilespmem:s23], [sflag:$0x4], $0x680, $0x38;
	[tilespmem:$0xA800] =	vst v63  }
0x12d: {  	s7 =	sadd.s32 s31, s7  }
0x12e: {  	[hbm4b:s7+s3] =	stream.linear.scatter [tilespmem:s24], [sflag:$0x4], $0x680, $0x38;
	[tilespmem:$0xA800] =	vst v63  }
0x12f: {  	_ =	swait.ge [sflag:s28], $0x680  }
0x130: {  	[sflag:s28] =	ssyncset.done $0x0  }
0x131: {  	[sflag:s28] =	ssyncadd.s32 $0xFFFFF980  }
0x132: {  	_ =	swait.ge [sflag:s28], $0x680  }
0x133: {  	[sflag:s28] =	ssyncset.done $0x0  }
0x134: {  	[sflag:s28] =	ssyncadd.s32 $0xFFFFF980  }
0x135: {  	_ =	swait.ge [sflag:s28], $0x680  }
0x136: {  	[sflag:s28] =	ssyncset.done $0x0  }
0x137: {  	[sflag:s28] =	ssyncadd.s32 $0xFFFFF980  }
0x138: {  	_ =	swait.ge [sflag:s28], $0x680  }
0x139: {  	[sflag:s28] =	ssyncset.done $0x0  }
0x13a: {  	[sflag:s28] =	ssyncadd.s32 $0xFFFFF980  }
0x13b: {  	_ =	swait.ge [sflag:s28], $0x680  }
0x13c: {  	[sflag:s28] =	ssyncset.done $0x0  }
0x13d: {  	[sflag:s28] =	ssyncadd.s32 $0xFFFFF980  }
0x13e: {  	_ =	swait.ge [sflag:s28], $0x680  }
0x13f: {  	[sflag:s28] =	ssyncset.done $0x0  }
0x140: {  	[sflag:s28] =	ssyncadd.s32 $0xFFFFF980  }
0x141: {  	_ =	swait.ge [sflag:s28], $0x680  }
0x142: {  	[sflag:s28] =	ssyncset.done $0x0  }
0x143: {  	[sflag:s28] =	ssyncadd.s32 $0xFFFFF980  }
0x144: {  	_ =	swait.ge [sflag:s28], $0x680  }
0x145: {  	[sflag:s28] =	ssyncset.done $0x0  }
0x146: {  	[sflag:s28] =	ssyncadd.s32 $0xFFFFF980  }
0x147: {  	_ =	swait.ge [sflag:s29], $0x680  }
0x148: {  	[sflag:s29] =	ssyncset.done $0x0  }
0x149: {  	[sflag:s29] =	ssyncadd.s32 $0xFFFFF980  }
0x14a: {  	_ =	swait.ge [sflag:s29], $0x680  }
0x14b: {  	[sflag:s29] =	ssyncset.done $0x0  }
0x14c: {  	[sflag:s29] =	ssyncadd.s32 $0xFFFFF980  }
0x14d: {  	_ =	swait.ge [sflag:s29], $0x680  }
0x14e: {  	[sflag:s29] =	ssyncset.done $0x0  }
0x14f: {  	[sflag:s29] =	ssyncadd.s32 $0xFFFFF980  }
0x150: {  	_ =	swait.ge [sflag:s29], $0x680  }
0x151: {  	[sflag:s29] =	ssyncset.done $0x0  }
0x152: {  	[sflag:s29] =	ssyncadd.s32 $0xFFFFF980  }
0x153: {  	_ =	swait.ge [sflag:s29], $0x680  }
0x154: {  	[sflag:s29] =	ssyncset.done $0x0  }
0x155: {  	[sflag:s29] =	ssyncadd.s32 $0xFFFFF980  }
0x156: {  	_ =	swait.ge [sflag:s29], $0x680  }
0x157: {  	[sflag:s29] =	ssyncset.done $0x0  }
0x158: {  	[sflag:s29] =	ssyncadd.s32 $0xFFFFF980  }
.Ltmp0:
0x159: {  	_ =	swait.ge [sflag:s29], $0x680;
	(pc) =	sbr.rel @p0 .LBB2_2-.Ltmp0, $4  }
0x15a: {  	[sflag:s29] =	ssyncset.done $0x0  }
0x15b: {  	[sflag:s29] =	ssyncadd.s32 $0xFFFFF980  }
0x15c: {  	_ =	swait.ge [sflag:s29], $0x680  }
0x15d: {  	s31 =	sadd.s32 $0xD00, s31;
	s2 =	smov.u32 s6;
	[sflag:s29] =	ssyncset.done $0x0  }
0x15e: {  	s0 =	sshra.s32 s0, $0x2;
	[sflag:s29] =	ssyncadd.s32 $0xFFFFF980  }
0x15f: {  	[tilespmem:s9], [sflag:$0x1] =	stream.indirect.gather [hbm4b:s4+s8], $0x40, s0, s8, $0xb8;
	[tilespmem:$0xA800] =	vst v63  }
0x160: {  	s1 =	sadd.s32 $0x20, s0  }
0x161: {  	[tilespmem:s10], [sflag:$0x1] =	stream.indirect.gather [hbm4b:s4+s8], $0x40, s1, s8, $0xb8;
	[tilespmem:$0xA800] =	vst v63  }
0x162: {  	s5 =	sadd.s32 $0x40, s0  }
0x163: {  	[tilespmem:s11], [sflag:$0x1] =	stream.indirect.gather [hbm4b:s4+s8], $0x40, s5, s8, $0xb8;
	[tilespmem:$0xA800] =	vst v63  }
0x164: {  	s6 =	sadd.s32 $0x60, s0  }
0x165: {  	[tilespmem:s12], [sflag:$0x1] =	stream.indirect.gather [hbm4b:s4+s8], $0x40, s6, s8, $0xb8;
	[tilespmem:$0xA800] =	vst v63  }
0x166: {  	s7 =	sadd.s32 $0x80, s0  }
0x167: {  	[tilespmem:s13], [sflag:$0x1] =	stream.indirect.gather [hbm4b:s4+s8], $0x40, s7, s8, $0xb8;
	[tilespmem:$0xA800] =	vst v63  }
0x168: {  	s2 =	sadd.s32 $0xA0, s0  }
0x169: {  	[tilespmem:s14], [sflag:$0x1] =	stream.indirect.gather [hbm4b:s4+s8], $0x40, s2, s8, $0xb8;
	[tilespmem:$0xA800] =	vst v63  }
0x16a: {  	s5 =	sadd.s32 $0xC0, s0  }
0x16b: {  	[tilespmem:s15], [sflag:$0x1] =	stream.indirect.gather [hbm4b:s4+s8], $0x40, s5, s8, $0xb8;
	[tilespmem:$0xA800] =	vst v63  }
0x16c: {  	s6 =	sadd.s32 $0xE0, s0  }
0x16d: {  	[tilespmem:s16], [sflag:$0x1] =	stream.indirect.gather [hbm4b:s4+s8], $0x40, s6, s8, $0xb8;
	[tilespmem:$0xA800] =	vst v63  }
0x16e: {  	s7 =	sadd.s32 $0x100, s0  }
0x16f: {  	[tilespmem:s17], [sflag:$0x2] =	stream.indirect.gather [hbm4b:s4+s8], $0x40, s7, s8, $0xb8;
	[tilespmem:$0xA800] =	vst v63  }
0x170: {  	s2 =	sadd.s32 $0x120, s0  }
0x171: {  	[tilespmem:s18], [sflag:$0x2] =	stream.indirect.gather [hbm4b:s4+s8], $0x40, s2, s8, $0xb8;
	[tilespmem:$0xA800] =	vst v63  }
0x172: {  	s5 =	sadd.s32 $0x140, s0  }
0x173: {  	[tilespmem:s19], [sflag:$0x2] =	stream.indirect.gather [hbm4b:s4+s8], $0x40, s5, s8, $0xb8;
	[tilespmem:$0xA800] =	vst v63  }
0x174: {  	s6 =	sadd.s32 $0x160, s0  }
0x175: {  	[tilespmem:s20], [sflag:$0x2] =	stream.indirect.gather [hbm4b:s4+s8], $0x40, s6, s8, $0xb8;
	[tilespmem:$0xA800] =	vst v63  }
0x176: {  	s7 =	sadd.s32 $0x180, s0  }
0x177: {  	[tilespmem:s21], [sflag:$0x2] =	stream.indirect.gather [hbm4b:s4+s8], $0x40, s7, s8, $0xb8;
	[tilespmem:$0xA800] =	vst v63  }
0x178: {  	s2 =	sadd.s32 $0x1A0, s0  }
0x179: {  	[tilespmem:s22], [sflag:$0x2] =	stream.indirect.gather [hbm4b:s4+s8], $0x40, s2, s8, $0xb8;
	[tilespmem:$0xA800] =	vst v63  }
0x17a: {  	s5 =	sadd.s32 $0x1C0, s0  }
0x17b: {  	[tilespmem:s23], [sflag:$0x2] =	stream.indirect.gather [hbm4b:s4+s8], $0x40, s5, s8, $0xb8;
	[tilespmem:$0xA800] =	vst v63  }
0x17c: {  	s0 =	sadd.s32 $0x1E0, s0  }
0x17d: {  	[tilespmem:s24], [sflag:$0x2] =	stream.indirect.gather [hbm4b:s4+s8], $0x40, s0, s8, $0xb8;
	[tilespmem:$0xA800] =	vst v63  }
0x17e: {  	_ =	swait.ge [sflag:s25], $0x680  }
0x17f: {  	[sflag:s25] =	ssyncset.done $0x0  }
0x180: {  	[sflag:s25] =	ssyncadd.s32 $0xFFFFF980  }
0x181: {  	_ =	swait.ge [sflag:s25], $0x680  }
0x182: {  	[sflag:s25] =	ssyncset.done $0x0  }
0x183: {  	[sflag:s25] =	ssyncadd.s32 $0xFFFFF980  }
0x184: {  	_ =	swait.ge [sflag:s25], $0x680  }
0x185: {  	[sflag:s25] =	ssyncset.done $0x0  }
0x186: {  	[sflag:s25] =	ssyncadd.s32 $0xFFFFF980  }
0x187: {  	_ =	swait.ge [sflag:s25], $0x680  }
0x188: {  	[sflag:s25] =	ssyncset.done $0x0  }
0x189: {  	[sflag:s25] =	ssyncadd.s32 $0xFFFFF980  }
0x18a: {  	_ =	swait.ge [sflag:s25], $0x680  }
0x18b: {  	[sflag:s25] =	ssyncset.done $0x0  }
0x18c: {  	[sflag:s25] =	ssyncadd.s32 $0xFFFFF980  }
0x18d: {  	_ =	swait.ge [sflag:s25], $0x680  }
0x18e: {  	[sflag:s25] =	ssyncset.done $0x0  }
0x18f: {  	[sflag:s25] =	ssyncadd.s32 $0xFFFFF980  }
0x190: {  	_ =	swait.ge [sflag:s25], $0x680  }
0x191: {  	[sflag:s25] =	ssyncset.done $0x0  }
0x192: {  	[sflag:s25] =	ssyncadd.s32 $0xFFFFF980  }
0x193: {  	_ =	swait.ge [sflag:s25], $0x680  }
0x194: {  	s6 =	rddreg [dreg:$0x3];
	[sflag:s25] =	ssyncset.done $0x0  }
0x195: {  	[sflag:s25] =	ssyncadd.s32 $0xFFFFF980;
	s0 =	sadd.s32 s31, s6  }
0x196: {  	[hbm4b:s0+s3] =	stream.linear.scatter [tilespmem:s9], [sflag:$0x3], $0x680, $0x38;
	[tilespmem:$0xA800] =	vst v63  }
0x197: {  	s7 =	rddreg [dreg:$0x9];
	s2 =	sadd.s32 $0xD0, s0  }
0x198: {  	[hbm4b:s2+s3] =	stream.linear.scatter [tilespmem:s10], [sflag:$0x3], $0x680, $0x38;
	[tilespmem:$0xA800] =	vst v63  }
0x199: {  	s5 =	rddreg [dreg:$0x8];
	s1 =	sadd.s32 s31, s7  }
0x19a: {  	[hbm4b:s1+s3] =	stream.linear.scatter [tilespmem:s11], [sflag:$0x3], $0x680, $0x38;
	[tilespmem:$0xA800] =	vst v63  }
0x19b: {  	s6 =	rddreg [dreg:$0x7];
	s2 =	sadd.s32 s31, s5  }
0x19c: {  	[hbm4b:s2+s3] =	stream.linear.scatter [tilespmem:s12], [sflag:$0x3], $0x680, $0x38;
	[tilespmem:$0xA800] =	vst v63  }
0x19d: {  	s7 =	rddreg [dreg:$0x6];
	s1 =	sadd.s32 s31, s6  }
0x19e: {  	[hbm4b:s1+s3] =	stream.linear.scatter [tilespmem:s13], [sflag:$0x3], $0x680, $0x38;
	[tilespmem:$0xA800] =	vst v63  }
0x19f: {  	s5 =	rddreg [dreg:$0x5];
	s2 =	sadd.s32 s31, s7  }
0x1a0: {  	[hbm4b:s2+s3] =	stream.linear.scatter [tilespmem:s14], [sflag:$0x3], $0x680, $0x38;
	[tilespmem:$0xA800] =	vst v63  }
0x1a1: {  	s6 =	rddreg [dreg:$0x4];
	s1 =	sadd.s32 s31, s5  }
0x1a2: {  	[hbm4b:s1+s3] =	stream.linear.scatter [tilespmem:s15], [sflag:$0x3], $0x680, $0x38;
	[tilespmem:$0xA800] =	vst v63  }
0x1a3: {  	s7 =	sadd.s32 s31, s6  }
0x1a4: {  	[hbm4b:s7+s3] =	stream.linear.scatter [tilespmem:s16], [sflag:$0x3], $0x680, $0x38;
	[tilespmem:$0xA800] =	vst v63  }
0x1a5: {  	_ =	swait.ge [sflag:s26], $0x680  }
0x1a6: {  	[sflag:s26] =	ssyncset.done $0x0  }
0x1a7: {  	[sflag:s26] =	ssyncadd.s32 $0xFFFFF980  }
0x1a8: {  	_ =	swait.ge [sflag:s26], $0x680  }
0x1a9: {  	[sflag:s26] =	ssyncset.done $0x0  }
0x1aa: {  	[sflag:s26] =	ssyncadd.s32 $0xFFFFF980  }
0x1ab: {  	_ =	swait.ge [sflag:s26], $0x680  }
0x1ac: {  	[sflag:s26] =	ssyncset.done $0x0  }
0x1ad: {  	[sflag:s26] =	ssyncadd.s32 $0xFFFFF980  }
0x1ae: {  	_ =	swait.ge [sflag:s26], $0x680  }
0x1af: {  	[sflag:s26] =	ssyncset.done $0x0  }
0x1b0: {  	[sflag:s26] =	ssyncadd.s32 $0xFFFFF980  }
0x1b1: {  	_ =	swait.ge [sflag:s26], $0x680  }
0x1b2: {  	[sflag:s26] =	ssyncset.done $0x0  }
0x1b3: {  	[sflag:s26] =	ssyncadd.s32 $0xFFFFF980  }
0x1b4: {  	_ =	swait.ge [sflag:s26], $0x680  }
0x1b5: {  	[sflag:s26] =	ssyncset.done $0x0  }
0x1b6: {  	[sflag:s26] =	ssyncadd.s32 $0xFFFFF980  }
0x1b7: {  	_ =	swait.ge [sflag:s26], $0x680  }
0x1b8: {  	[sflag:s26] =	ssyncset.done $0x0  }
0x1b9: {  	[sflag:s26] =	ssyncadd.s32 $0xFFFFF980  }
0x1ba: {  	_ =	swait.ge [sflag:s26], $0x680  }
0x1bb: {  	[sflag:s26] =	ssyncset.done $0x0  }
0x1bc: {  	s0 =	sadd.s32 $0x680, s0;
	s2 =	rddreg [dreg:$0x10];
	[sflag:s26] =	ssyncadd.s32 $0xFFFFF980  }
0x1bd: {  	[hbm4b:s0+s3] =	stream.linear.scatter [tilespmem:s17], [sflag:$0x4], $0x680, $0x38;
	[tilespmem:$0xA800] =	vst v63  }
0x1be: {  	s5 =	rddreg [dreg:$0xf];
	s1 =	sadd.s32 s31, s2  }
0x1bf: {  	[hbm4b:s1+s3] =	stream.linear.scatter [tilespmem:s18], [sflag:$0x4], $0x680, $0x38;
	[tilespmem:$0xA800] =	vst v63  }
0x1c0: {  	s6 =	rddreg [dreg:$0xe];
	s0 =	sadd.s32 s31, s5  }
0x1c1: {  	[hbm4b:s0+s3] =	stream.linear.scatter [tilespmem:s19], [sflag:$0x4], $0x680, $0x38;
	[tilespmem:$0xA800] =	vst v63  }
0x1c2: {  	s7 =	rddreg [dreg:$0xd];
	s1 =	sadd.s32 s31, s6  }
0x1c3: {  	[hbm4b:s1+s3] =	stream.linear.scatter [tilespmem:s20], [sflag:$0x4], $0x680, $0x38;
	[tilespmem:$0xA800] =	vst v63  }
0x1c4: {  	s2 =	rddreg [dreg:$0xc];
	s0 =	sadd.s32 s31, s7  }
0x1c5: {  	[hbm4b:s0+s3] =	stream.linear.scatter [tilespmem:s21], [sflag:$0x4], $0x680, $0x38;
	[tilespmem:$0xA800] =	vst v63  }
0x1c6: {  	s5 =	rddreg [dreg:$0xb];
	s1 =	sadd.s32 s31, s2  }
0x1c7: {  	[hbm4b:s1+s3] =	stream.linear.scatter [tilespmem:s22], [sflag:$0x4], $0x680, $0x38;
	[tilespmem:$0xA800] =	vst v63  }
0x1c8: {  	s6 =	rddreg [dreg:$0xa];
	s0 =	sadd.s32 s31, s5  }
0x1c9: {  	[hbm4b:s0+s3] =	stream.linear.scatter [tilespmem:s23], [sflag:$0x4], $0x680, $0x38;
	[tilespmem:$0xA800] =	vst v63  }
0x1ca: {  	s7 =	sadd.s32 s31, s6  }
0x1cb: {  	[hbm4b:s7+s3] =	stream.linear.scatter [tilespmem:s24], [sflag:$0x4], $0x680, $0x38;
	[tilespmem:$0xA800] =	vst v63  }
0x1cc: {  	_ =	swait.ge [sflag:s28], $0x680  }
0x1cd: {  	[sflag:s28] =	ssyncset.done $0x0  }
0x1ce: {  	[sflag:s28] =	ssyncadd.s32 $0xFFFFF980  }
0x1cf: {  	_ =	swait.ge [sflag:s28], $0x680  }
0x1d0: {  	[sflag:s28] =	ssyncset.done $0x0  }
0x1d1: {  	[sflag:s28] =	ssyncadd.s32 $0xFFFFF980  }
0x1d2: {  	_ =	swait.ge [sflag:s28], $0x680  }
0x1d3: {  	[sflag:s28] =	ssyncset.done $0x0  }
0x1d4: {  	[sflag:s28] =	ssyncadd.s32 $0xFFFFF980  }
0x1d5: {  	_ =	swait.ge [sflag:s28], $0x680  }
0x1d6: {  	[sflag:s28] =	ssyncset.done $0x0  }
0x1d7: {  	[sflag:s28] =	ssyncadd.s32 $0xFFFFF980  }
0x1d8: {  	_ =	swait.ge [sflag:s28], $0x680  }
0x1d9: {  	[sflag:s28] =	ssyncset.done $0x0  }
0x1da: {  	[sflag:s28] =	ssyncadd.s32 $0xFFFFF980  }
0x1db: {  	_ =	swait.ge [sflag:s28], $0x680  }
0x1dc: {  	[sflag:s28] =	ssyncset.done $0x0  }
0x1dd: {  	[sflag:s28] =	ssyncadd.s32 $0xFFFFF980  }
0x1de: {  	_ =	swait.ge [sflag:s28], $0x680  }
0x1df: {  	[sflag:s28] =	ssyncset.done $0x0  }
0x1e0: {  	[sflag:s28] =	ssyncadd.s32 $0xFFFFF980  }
0x1e1: {  	_ =	swait.ge [sflag:s28], $0x680  }
0x1e2: {  	[sflag:s28] =	ssyncset.done $0x0  }
0x1e3: {  	[sflag:s28] =	ssyncadd.s32 $0xFFFFF980  }
0x1e4: {  	_ =	swait.ge [sflag:s29], $0x680  }
0x1e5: {  	[sflag:s29] =	ssyncset.done $0x0  }
0x1e6: {  	[sflag:s29] =	ssyncadd.s32 $0xFFFFF980  }
0x1e7: {  	_ =	swait.ge [sflag:s29], $0x680  }
0x1e8: {  	[sflag:s29] =	ssyncset.done $0x0  }
0x1e9: {  	[sflag:s29] =	ssyncadd.s32 $0xFFFFF980  }
0x1ea: {  	_ =	swait.ge [sflag:s29], $0x680  }
0x1eb: {  	[sflag:s29] =	ssyncset.done $0x0  }
0x1ec: {  	[sflag:s29] =	ssyncadd.s32 $0xFFFFF980  }
0x1ed: {  	_ =	swait.ge [sflag:s29], $0x680  }
0x1ee: {  	[sflag:s29] =	ssyncset.done $0x0  }
0x1ef: {  	[sflag:s29] =	ssyncadd.s32 $0xFFFFF980  }
0x1f0: {  	_ =	swait.ge [sflag:s29], $0x680  }
0x1f1: {  	[sflag:s29] =	ssyncset.done $0x0  }
0x1f2: {  	[sflag:s29] =	ssyncadd.s32 $0xFFFFF980  }
0x1f3: {  	_ =	swait.ge [sflag:s29], $0x680  }
0x1f4: {  	[sflag:s29] =	ssyncset.done $0x0  }
0x1f5: {  	[sflag:s29] =	ssyncadd.s32 $0xFFFFF980  }
0x1f6: {  	_ =	swait.ge [sflag:s29], $0x680  }
0x1f7: {  	[sflag:s29] =	ssyncset.done $0x0  }
0x1f8: {  	[sflag:s29] =	ssyncadd.s32 $0xFFFFF980  }
0x1f9: {  	_ =	swait.ge [sflag:s29], $0x680  }
0x1fa: {  	s30 =	sadd.s32 $0x1, s30;
	s31 =	rddreg [dreg:$0x12]  }
0x1fb: {  	p0 =	sne.s32 s30, s31  }
.Ltmp1:
0x1fc: {  	_ = 	snop;
	(pc) =	sbr.rel @p0 .LBB2_1-.Ltmp1, $3  }
0x1fd: {  	_ =	sdelay $0x1  }
0x1fe: {  	[sflag:s29] =	ssyncset.done $0x0  }
0x1ff: {  	[sflag:s29] =	ssyncadd.s32 $0xFFFFF980  }
0x200: {  	_ =	sfence.sel $0x180000  }
0x201: {  	[bflag:$0x0] =	sbarrier.arrive $0xFFFF  }
0x202: {  	_ =	strace $0x90000047  }
0x203: {  	s0 =	stileid.u32;
	[bflag:$0x2] =	sbarrier.arrive $0xFFFF  }
0x204: {  	p0 =	sne.s32 s0, $0x0;
	s0 =	rddreg [dreg:$0x2]  }
0x205: {  	s0 =	sadd.s32 @!p0 $0x100000, s0  }
0x206: {  	[sflag:s0] =	ssyncadd.tile.s32 @!p0 $0x1;
	_ =	shalt  }
.Lfunc_end2:
_tile_overlayer_lowered:
.L_overlay_start_2:
0x207: {  	(tag) =	ssettag $0x2  }
0x208: {  	s0 =	rddreg [dreg:$0x0];
	s2 =	stileid.u32  }
0x209: {  	s1 =	rddreg [dreg:$0x1];
	p0 =	sne.s32 s2, $0x0  }
0x20a: {  	s3 =	rddreg [dreg:$0x2];
	[bflag:$0x3] =	sbarrier.arrive $0xFFFF;
	s2 =	simm.s32 @!p0 $0x1C05  }
0x20b: {  	[timem:s3], [sflag:s2] =	dma.local @!p0 [hbm:s0], s1  }
0x20c: {  	s0 =	simm.s32 @!p0 $0x5  }
0x20d: {  	_ =	swait.ge @!p0 [sflag:s0], s1  }
0x20e: {  	s1 =	ssub.s32 @!p0 $0x0, s1;
	[sflag:s0] =	ssyncset.done @!p0 $0x0  }
0x20f: {  	[sflag:s0] =	ssyncadd.s32 @!p0 s1  }
0x210: {  	[bflag:$0x3] =	sbarrier.arrive $0xFFFF  }
0x211: {  	_ =	shalt  }

// kernel: sparse-core-data-format-call.cloned.1.call-start
scs
called_computation_lowered:
.L_overlay_start_0:
0x0: {  	s2 =	sld [smem:$0x3FD9]  }
0x1: {  	s3 =	sld [smem:$0x3FFE];
	_ =	sdelay $0x1  }
0x2: {  	s1 =	srdreg.scid  }
0x3: {  	s0 =	sand.u32 $0x1, s1  }
0x4: {  	s18 =	sshll.u32 s0, $0xA;
	s2 =	sadd.s32 s3, s2  }
0x5: {  	s2 =	sadd.s32 s2, s18  }
0x6: {  	[smem:$0x3FC6] =	sst s2  }
0x7: {  	_ = 	snop  }
0x8: {  	s2 =	sld [smem:$0x3FD0];
	(tm) =	ssettm $0x1  }
0x9: {  	s19 =	sld [smem:$0x3FFB];
	_ =	sdelay $0x3  }
0xa: {  	_ =	strace s19  }
0xb: {  	s3 =	sld [smem:$0x3FFC];
	_ =	sdelay $0x3  }
0xc: {  	_ =	strace s3  }
0xd: {  	s3 =	sld [smem:$0x3FFD];
	_ =	sdelay $0x3  }
0xe: {  	_ =	strace s3  }
0xf: {  	_ =	strace $0x8FFFFFFF  }
0x10: {  	s20 =	sld [smem:$0x3FDB];
	_ =	sdelay $0x1  }
0x11: {  	s4 =	simm.s32 $_scs_section_size  }
0x12: {  	s5 =	simm.s32 $_size__tile_overlayer_lowered;
	s6 =	simm.s32 $_tile_overlayer_lowered  }
0x13: {  	s23 =	simm.s32 $0x1BFF;
	s22 =	sshll.u32 s6, $0x1;
	s3 =	sadd.s32 s4, s20  }
0x14: {  	s7 =	simm.s32 $0x0;
	s21 =	sshll.u32 s5, $0x1;
	s5 =	sadd.s32 s22, s3  }
0x15: {  	[timem:s7], [sflag:s23] =	dma.local [hbm:s5], s21  }
0x16: {  	_ =	swait.ge [sflag:s23], s21  }
0x17: {  	s4 =	ssub.s32 $0x0, s21;
	[sflag:s23] =	ssyncset.done $0x0  }
0x18: {  	[sflag:s23] =	ssyncadd.s32 s4;
	_ =	sdelay $0x1  }
0x19: {  	s24 =	simm.s32 $0x1B8B  }
0x1a: {  	_ =	swait.ge [sflag:s24], $0x1  }
0x1b: {  	[sflag:s24] =	ssyncset.done $0x0  }
0x1c: {  	s26 =	simm.s32 $0x1B8E;
	s25 =	sld [smem:$0x3FFE];
	[sflag:s24] =	ssyncadd.s32 $0xFFFFFFFF  }
0x1d: {  	s27 =	simm.s32 $execute0_lowered;
	[smem:$0x3FD2] =	sst s26  }
0x1e: {  	s5 =	sshll.u32 s27, $0x1;
	_ =	strace $0x80000049;
	[dreg:$0x1] =	wrdreg $0xFFFFFFFF  }
0x1f: {  	s28 =	simm.s32 $_size_execute0_lowered;
	s3 =	sadd.s32 s3, s5;
	[dreg:$0x0] =	wrdreg $0x0  }
0x20: {  	s5 =	sshll.u32 s28, $0x1;
	[dreg:$0x2] =	wrdreg s3  }
0x21: {  	[dreg:$0x3] =	wrdreg s5  }
0x22: {  	[dreg:$0x4] =	wrdreg $0xC0  }
0x23: {  	_ =	task [dreg:s7], $0x5FFFF  }
0x24: {  	[dreg:$0x1] =	wrdreg $0xFFFFFFFF  }
0x25: {  	[dreg:$0x0] =	wrdreg $0x60  }
0x26: {  	[dreg:$0x2] =	wrdreg s25  }
0x27: {  	[dreg:$0x3] =	wrdreg s2  }
0x28: {  	[dreg:$0x4] =	wrdreg $0x9  }
0x29: {  	_ =	task.clear_ibuf [dreg:s7], $0x5FFFF;
	_ =	strace $0x90000049  }
0x2a: {  	s29 =	simm.s32 $0x9;
	_ =	strace $0x8000004B  }
0x2b: {  	_ =	swait.ge [sflag:s29], $0x1  }
0x2c: {  	[sflag:s29] =	ssyncadd.s32 $0xFFFFFFFF  }
0x2d: {  	_ =	strace $0x9000004B  }
0x2e: {  	_ =	sfence  }
0x2f: {  	s30 =	sld [smem:$0x0];
	_ =	sdelay $0x2  }
0x30: {  	s31 =	sshll.u32 s1, $0xD;
	s1 =	sshrl.u32 s1, $0x2  }
0x31: {  	s3 =	sand.u32 $0x4000, s31;
	s1 =	sadd.s32 s1, s30  }
0x32: {  	s0 =	sor.u32 s3, s0;
	s1 =	sshll.u32 s1, $0x11  }
0x33: {  	s0 =	sor.u32 s1, s0  }
0x34: {  	s0 =	sadd.s32 $0x8F2B, s0  }
0x35: {  	[sflag:s0] =	ssyncadd.remote.s32 $0x1  }
0x36: {  	_ =	sfence.sel $0xFFFF  }
0x37: {  	[dreg:$0x0] =	wrdreg $0xFFFFFFFF;
	(pc) =	sbr.abs _section_cstart, $3  }
0x38: {  	[dreg:$0x1] =	wrdreg $0xFFFFFFFF  }
0x39: {  	_ =	task.clear_ibuf [dreg:s7], $0x2FFFF;
	_ =	strace $0x9FFFFFFF  }
0x3a: {  	(tm) =	ssettm $0x7FFFFFFF  }
0x3b: {  	_ =	shalt  }
tec
execute0_lowered:
.L_overlay_start_1:
0x0: {  	(tag) =	ssettag $0x1  }
0x1: {  	s0 =	srdreg.scid  }
0x2: {  	s1 =	sshll.u32 s0, $0x4  }
0x3: {  	s0 =	stileid.u32;
	s1 =	sand.u32 $0x10, s1  }
0x4: {  	s1 =	sor.u32 s0, s1  }
0x5: {  	s6 =	rddreg [dreg:$0x0];
	s4 =	simm.s32 $0x1;
	s2 =	sshll.u32 s1, $0x7  }
0x6: {  	s7 =	simm.s32 $0x2;
	s12 =	simm.s32 $0x0;
	s1 =	ssub.s32 $0x4000, s2  }
0x7: {  	s8 =	simm.s32 $0x20000;
	s13 =	simm.s32 $0x0;
	s3 =	sand.u32 $0xF80, s1  }
0x8: {  	s9 =	simm.s32 $0x0;
	s5 =	sshrl.u32 s1, $0xC;
	p0 =	sne.s32 s3, $0x0  }
.Ltmp0:
0x9: {  	s1 =	rddreg [dreg:$0x2];
	s4 =	simm.s32 @!p0 $0x0;
	(pc) =	sbr.rel .LBB1_1-.Ltmp0, $4  }
0xa: {  	s11 =	simm.s32 $0x0;
	s3 =	rddreg [dreg:$0x1];
	s5 =	sadd.s32 s4, s5  }
0xb: {  	_ =	strace $0x8000004A;
	s4 =	simm.s32 $0x1;
	s5 =	smul.u32 $0x1A, s5  }
0xc: {  	s6 =	sadd.s32 $0x800, s6;
	s10 =	smov.u32 s2;
	[sflag:s4] =	ssyncpa.u1 $0x0  }
0xd: {  	p0 =	por $0x0, $0x0;
	[sflag:s7] =	ssyncpa.u1 $0x0;
	s7 =	sor.u32 $0x1, s5  }
.LBB1_4:
0xe: {  	s16 =	sshll.u32 s13, $0x3;
	s17 =	sand.u32 $0x78, s13  }
0xf: {  	s30 =	sand.u32 $0x1F800, s13;
	s12 =	sshll.u32 s12, $0x11;
	s16 =	sand.u32 $0x3C00, s16  }
0x10: {  	[tilespmem:s15+$0x810 ss:$0x81] =	vst.msk $0xffff, v2;
	s31 =	sand.u32 $0x7, s13;
	s16 =	sor.u32 s17, s16;
	s17 =	sadd.s32 s3, s30  }
0x11: {  	[tilespmem:s15+$0x1020 ss:$0x81] =	vst.msk $0xffff, v0;
	s13 =	sshll.u32 s31, $0x12;
	s12 =	sadd.s32 s12, s17;
	s16 =	sshrl.u32 s16, $0x3  }
0x12: {  	[tilespmem:s15+$0x0 ss:$0x81] =	vst.msk $0xffff, v1;
	s13 =	sor.u32 $0x400, s13;
	s12 =	sadd.s32 s16, s12  }
0x13: {  	[hbm4b:s12+s13] =	stream.strided.scatter [tilespmem:s14], [sflag:$0x2], $0x2000, s8, s13, $0x20;
	[tilespmem:$0x8080] =	vst v63  }
.LBB1_5:
0x14: {  	s14 =	sadd.s32 $0x1, s9  }
0x15: {  	s12 =	sadd.s32 $0x1000, s10;
	s16 =	smov.u32 s10;
	p2 =	sgt.s32 s14, $0x19  }
0x16: {  	s16 =	smov.u32 @p2 s12  }
0x17: {  	s14 =	simm.s32 @p2 $0x0;
	p2 =	sgt.s32 s16, $0x3FFF  }
0x18: {  	s16 =	smov.u32 @p2 s2;
	p2 =	sne.s32 s11, s7  }
.Ltmp1:
0x19: {  	p1 =	slt.u32 s11, $0x2;
	(pc) =	sbr.rel @!p2 .LBB1_6-.Ltmp1, $4  }
0x1a: {  	s15 =	simm.s32 @!p1 $0x2  }
0x1b: {  	s13 =	smov.u32 s10;
	p0 =	por !p0, !p0;
	_ =	swait.ge @!p1 [sflag:s15], $0x2000  }
0x1c: {  	s12 =	smov.u32 s9;
	[sflag:s15] =	ssyncset.done @!p1 $0x0;
	s9 =	smov.u32 s14  }
0x1d: {  	s11 =	sadd.s32 $0x1, s11;
	[sflag:s15] =	ssyncadd.s32 @!p1 $0xFFFFE000;
	s10 =	smov.u32 s16  }
.LBB1_1:
0x1e: {  	p1 =	sge.u32 s11, s5  }
0x1f: {  	s31 =	sadd.s32 $0xFFFFFFFF, s11;
	s14 =	sxor.u32 @!p1 $0xFFFFFFFF, s11  }
0x20: {  	s15 =	sshll.u32 @!p1 s10, $0x9;
	s16 =	sshll.u32 @!p1 s9, $0x4;
	s17 =	simm.s32 @!p1 $0x1000  }
0x21: {  	s14 =	sshll.u32 @!p1 s14, $0xD;
	s16 =	sand.u32 @!p1 $0x1F0, s16;
	s15 =	sadd.s32 @!p1 s6, s15  }
0x22: {  	s14 =	sand.u32 @!p1 $0x2000, s14;
	s15 =	sadd.s32 @!p1 s16, s15;
	s16 =	simm.s32 @!p1 $0x40  }
0x23: {  	[tilespmem:s14], [sflag:$0x1] =	stream.strided.gather @!p1 [hbm4b:s15+s16], $0x2000, s17, s16, $0x38;
	[tilespmem:$0x8080] =	vst v63  }
0x24: {  	p1 =	sge.u32 s31, s5  }
.Ltmp2:
0x25: {  	_ = 	snop;
	(pc) =	sbr.rel @p1 .LBB1_5-.Ltmp2, $1  }
0x26: {  	_ =	sdelay $0x3  }
0x27: {  	s14 =	simm.s32 $0x1  }
0x28: {  	_ =	swait.ge [sflag:s4], $0x2000;
	s14 =	simm.s32 @!p0 $0x0  }
0x29: {  	[sflag:s4] =	ssyncset.done $0x0;
	s15 =	sshll.u32 s14, $0xD  }
0x2a: {  	[sflag:s4] =	ssyncadd.s32 $0xFFFFE000;
	s18 =	sor.u32 $0x20, s15  }
0x2b: {  	s14 =	smul.u32 $0x8100, s14;
	v3 =	vld [tilespmem:s18+$0x10]  }
0x2c: {  	s30 =	sand.u32 $0x1, s11;
	v2 =	vld [tilespmem:s18+$0xFFFFFFF0]  }
0x2d: {  	s15 =	smul.u32 $0x8100, s30;
	s14 =	sshrl.u32 s14, $0x2;
	v0 =	vld [tilespmem:s18+$0x0]  }
0x2e: {  	v1 =	vld [tilespmem:s18+$0xFFFFFFE0];
	s16 =	sor.u32 $0x4000, s14  }
0x2f: {  	s31 =	sshrl.u32 s15, $0x2;
	s15 =	sadd.s32 $0x0, s16  }
0x30: {  	s17 =	simm.s32 $0x4;
	s18 =	sadd.s32 $0x40, s18;
	s14 =	sor.u32 $0x4000, s31;
	[tilespmem:s15+$0x1830 ss:$0x81] =	vst.msk $0xffff, v3  }
.LBB1_3:
0x31: {  	v3 =	vld [tilespmem:s18+$0x10];
	p1 =	sne.s32 s17, $0x1FC;
	[tilespmem:s15+$0x810 ss:$0x81] =	vst.msk $0xffff, v2;
	s19 =	smov.u32 s17;
	s17 =	sadd.s32 $0x4, s17  }
.Ltmp3:
0x32: {  	v2 =	vld [tilespmem:s18+$0xFFFFFFF0];
	[tilespmem:s15+$0x1020 ss:$0x81] =	vst.msk $0xffff, v0;
	(pc) =	sbr.rel @p1 .LBB1_3-.Ltmp3, $4  }
0x33: {  	v0 =	vld [tilespmem:s18+$0x0];
	[tilespmem:s15+$0x0 ss:$0x81] =	vst.msk $0xffff, v1  }
0x34: {  	s15 =	sshra.s32 s19, $0x2;
	v1 =	vld [tilespmem:s18+$0xFFFFFFE0]  }
0x35: {  	s15 =	sadd.s32 s15, s16  }
0x36: {  	s18 =	sadd.s32 $0x40, s18;
	[tilespmem:s15+$0x1830 ss:$0x81] =	vst.msk $0xffff, v3  }
.Ltmp4:
0x37: {  	_ = 	snop;
	(pc) =	sbr.rel .LBB1_4-.Ltmp4, $1  }
0x38: {  	_ =	sdelay $0x3  }
.LBB1_6:
0x39: {  	_ =	sfence.sel $0x180000  }
0x3a: {  	s2 =	simm.s32 $0x1;
	[bflag:$0x0] =	sbarrier.arrive $0xFFFF  }
0x3b: {  	s31 =	simm.s32 $0x2;
	[sflag:s2] =	ssyncpa.u1 $0x1  }
0x3c: {  	[sflag:s31] =	ssyncpa.u1 $0x1  }
0x3d: {  	p0 =	sne.s32 s0, $0x0;
	_ =	strace $0x9000004A  }
0x3e: {  	s0 =	sadd.s32 @!p0 $0x100000, s1;
	[bflag:$0x2] =	sbarrier.arrive $0xFFFF  }
0x3f: {  	[sflag:s0] =	ssyncadd.tile.s32 @!p0 $0x1;
	_ =	shalt  }
.Lfunc_end1:
_tile_overlayer_lowered:
.L_overlay_start_2:
0x40: {  	(tag) =	ssettag $0x2  }
0x41: {  	s0 =	rddreg [dreg:$0x0];
	s2 =	stileid.u32  }
0x42: {  	s1 =	rddreg [dreg:$0x1];
	p0 =	sne.s32 s2, $0x0  }
0x43: {  	s3 =	rddreg [dreg:$0x2];
	[bflag:$0x3] =	sbarrier.arrive $0xFFFF;
	s2 =	simm.s32 @!p0 $0x1C01  }
0x44: {  	[timem:s3], [sflag:s2] =	dma.local @!p0 [hbm:s0], s1  }
0x45: {  	s0 =	simm.s32 @!p0 $0x1  }
0x46: {  	_ =	swait.ge @!p0 [sflag:s0], s1  }
0x47: {  	s1 =	ssub.s32 @!p0 $0x0, s1;
	[sflag:s0] =	ssyncset.done @!p0 $0x0  }
0x48: {  	[sflag:s0] =	ssyncadd.s32 @!p0 s1  }
0x49: {  	[bflag:$0x3] =	sbarrier.arrive $0xFFFF  }
0x4a: {  	_ =	shalt  }

</sc_bundles>
